<compile_context>
chip_gen: v7x
topology: tpu7x:2x2x1
jax: 0.10.2.dev20260603
libtpu: 0.0.44.dev20260713+nightly
codegen_flags: <defaults>
</compile_context>

<pallas_src>
import functools

import jax
import jax.numpy as jnp
from jax import lax
from jax.experimental import pallas as pl
from jax.experimental.pallas import tpu as pltpu
from jax.experimental.pallas import tpu_sc as plsc


def _sc_gather(table, idx_flat):
    n = idx_flat.shape[0]
    e = table.shape[1]
    info = plsc.get_sparse_core_info()
    nw = info.num_cores * info.num_subcores
    per_w = n // nw
    ch = min(per_w, 128)
    n_ch = per_w // ch
    mesh = plsc.VectorSubcoreMesh(core_axis_name="c", subcore_axis_name="s")

    @functools.partial(
        pl.kernel,
        mesh=mesh,
        out_type=jax.ShapeDtypeStruct((n, e), table.dtype),
        scratch_types=[
            pltpu.VMEM((ch,), jnp.int32),
            pltpu.VMEM((ch, e), table.dtype),
            pltpu.SemaphoreType.DMA,
        ],
    )
    def gk(table_hbm, idx_hbm, out_hbm, idx_v, rows_v, sem):
        wid = lax.axis_index("s") * info.num_cores + lax.axis_index("c")
        base = wid * per_w
        for c in range(n_ch):
            off = base + c * ch
            pltpu.sync_copy(idx_hbm.at[pl.ds(off, ch)], idx_v)
            pltpu.async_copy(table_hbm.at[idx_v], rows_v, sem).wait()
            pltpu.sync_copy(rows_v, out_hbm.at[pl.ds(off, ch)])

    return gk(table, idx_flat)


_T_BLK = 16


def _gru_body(x_ref, wx_ref, wh_ref, bias_ref, dw_ref, db_ref, out_ref,
              h_ref, hs_ref):
    it = pl.program_id(0)
    u = wh_ref.shape[0]
    tb, b, e = x_ref.shape
    v = dw_ref.shape[1]

    @pl.when(it == 0)
    def _():
        h_ref[...] = jnp.zeros_like(h_ref)

    b_i = bias_ref[0]
    b_r = bias_ref[1]
    b_zr = b_i + jnp.concatenate(
        [b_r[:2 * u], jnp.zeros_like(b_r[2 * u:])])
    b_rh = b_r[2 * u:]
    xp_all = jnp.dot(x_ref[...].reshape(tb * b, e).astype(jnp.bfloat16),
                     wx_ref[...], preferred_element_type=jnp.float32) + b_zr
    h = h_ref[...]
    for i in range(tb):
        xp = xp_all[i * b:(i + 1) * b]
        rp = jnp.dot(h.astype(jnp.bfloat16), wh_ref[...],
                     preferred_element_type=jnp.float32)
        z = jax.nn.sigmoid(xp[:, :u] + rp[:, :u])
        r = jax.nn.sigmoid(xp[:, u:2 * u] + rp[:, u:2 * u])
        hh = jnp.tanh(xp[:, 2 * u:] + r * (rp[:, 2 * u:] + b_rh))
        h = z * h + (1.0 - z) * hh
        hs_ref[i * b:(i + 1) * b] = h.astype(jnp.bfloat16)
    h_ref[...] = h
    res = jnp.dot(hs_ref[...], dw_ref[...],
                  preferred_element_type=jnp.float32) + db_ref[...]
    out_ref[...] = res.reshape(tb, b, v).astype(out_ref.dtype)


def kernel(inputs, emb, kernel, rec_kernel, bias, dense_w, dense_b):
    b, s = inputs.shape
    v, e = emb.shape
    u = rec_kernel.shape[0]

    idx = jnp.transpose(inputs.astype(jnp.int32)).reshape(-1)
    x = _sc_gather(emb, idx).reshape(s, b, e)

    tb = _T_BLK
    logits = pl.pallas_call(
        _gru_body,
        grid=(s // tb,),
        in_specs=[
            pl.BlockSpec((tb, b, e), lambda t: (t, 0, 0)),
            pl.BlockSpec((e, 3 * u), lambda t: (0, 0)),
            pl.BlockSpec((u, 3 * u), lambda t: (0, 0)),
            pl.BlockSpec((2, 3 * u), lambda t: (0, 0)),
            pl.BlockSpec((u, v), lambda t: (0, 0)),
            pl.BlockSpec((1, v), lambda t: (0, 0)),
        ],
        out_specs=pl.BlockSpec((tb, b, v), lambda t: (t, 0, 0)),
        out_shape=jax.ShapeDtypeStruct((s, b, v), jnp.float32),
        scratch_shapes=[
            pltpu.VMEM((b, u), jnp.float32),
            pltpu.VMEM((tb * b, u), jnp.bfloat16),
        ],
        compiler_params=pltpu.CompilerParams(
            dimension_semantics=("arbitrary",)),
    )(x, kernel.astype(jnp.bfloat16), rec_kernel.astype(jnp.bfloat16), bias,
      dense_w.astype(jnp.bfloat16), dense_b.reshape(1, v))

    return logits.transpose(1, 0, 2)

# --- scband reference (transcript-rebuilt; emitter-appended) ---
"""Pipeline reference for scband-euterpe-model-rnn-2551210574243 (READ-ONLY COPY).

The authoritative reference and input builder live on the scoring server;
editing this copy changes nothing except your own understanding.
"""

import jax, jax.numpy as jnp
import numpy as np

VOCAB = 1000
EMB = 256
UNITS = 1024
B = 64
S = 256


def setup_inputs(seed: int = 0) -> dict:
    key = jax.random.key(seed)
    ks = jax.random.split(key, 6)
    inputs = jax.random.randint(ks[0], (B, S), 0, VOCAB)
    emb = jax.random.normal(ks[1], (VOCAB, EMB), dtype=jnp.float32) * 0.05
    kernel = jax.random.normal(ks[2], (EMB, 3 * UNITS), dtype=jnp.float32) * 0.02
    rec_kernel = jax.random.normal(ks[3], (UNITS, 3 * UNITS), dtype=jnp.float32) * 0.02
    bias = jnp.zeros((2, 3 * UNITS), dtype=jnp.float32)
    dense_w = jax.random.normal(ks[4], (UNITS, VOCAB), dtype=jnp.float32) * 0.02
    dense_b = jnp.zeros((VOCAB,), dtype=jnp.float32)
    return {"inputs": inputs, "emb": emb, "kernel": kernel,
            "rec_kernel": rec_kernel, "bias": bias,
            "dense_w": dense_w, "dense_b": dense_b}


def _gru(x, h0, kernel, rec_kernel, bias):
    # Keras GRU semantics with reset_after=True (TF2 default).
    # kernel: [in, 3U] ordered (z, r, h); bias: [2, 3U] (input bias, recurrent bias)
    U = rec_kernel.shape[0]
    b_i = bias[0]
    b_r = bias[1]

    def step(h, xt):
        xz = xt @ kernel[:, :U] + b_i[:U]
        xr = xt @ kernel[:, U:2 * U] + b_i[U:2 * U]
        xh = xt @ kernel[:, 2 * U:] + b_i[2 * U:]
        rz = h @ rec_kernel[:, :U] + b_r[:U]
        rr = h @ rec_kernel[:, U:2 * U] + b_r[U:2 * U]
        rh = h @ rec_kernel[:, 2 * U:] + b_r[2 * U:]
        z = jax.nn.sigmoid(xz + rz)
        r = jax.nn.sigmoid(xr + rr)
        hh = jnp.tanh(xh + r * rh)
        hn = z * h + (1.0 - z) * hh
        return hn, hn

    xs = jnp.swapaxes(x, 0, 1)  # [S, B, E]
    hT, ys = jax.lax.scan(step, h0, xs)
    return jnp.swapaxes(ys, 0, 1), hT


def reference(inputs, emb, kernel, rec_kernel, bias, dense_w, dense_b):
    # embedding lookup
    x = jnp.take(emb, inputs, axis=0)  # [B, S, EMB]
    # GRU with zero initial state (states=None path in the Keras model)
    h0 = jnp.zeros((inputs.shape[0], rec_kernel.shape[0]), dtype=x.dtype)
    seq, hT = _gru(x, h0, kernel, rec_kernel, bias)
    # dense projection to vocab logits
    logits = seq @ dense_w + dense_b
    return logits

if __name__ == "__main__":
    import jax
    _d = setup_inputs()
    print(jax.jit(kernel)(*tuple(_d.values())))

</pallas_src>

<mosaic_0001>
#map = affine_map<(d0, d1) -> (0, 0)>
#map1 = affine_map<(d0, d1) -> (0)>
module attributes {stable_mosaic.version = 14 : i64} {
  func.func @gk(%arg0: i32, %arg1: i32, %arg2: memref<1000x256xf32, #tpu.memory_space<hbm>>, %arg3: memref<16384xi32, #tpu.memory_space<hbm>>, %arg4: memref<16384x256xf32, #tpu.memory_space<hbm>>, %arg5: memref<128xi32, #tpu.memory_space<vmem>>, %arg6: memref<128x256xf32, #tpu.memory_space<vmem>>, %arg7: memref<!tpu.dma_semaphore, #tpu.memory_space<semaphore_mem>>) attributes {dimension_semantics = [#tpu.dimension_semantics<core_parallel>, #tpu.dimension_semantics<subcore_parallel>], iteration_bounds = array<i64: 2, 16>, scalar_prefetch = 0 : i64, scratch_operands = 3 : i64, tpu.core_type = #tpu.core_type<sc_vector_subcore>, window_params = [{transform_indices = #map}, {transform_indices = #map1}, {transform_indices = #map}]} {
    %mul3A = arith.constant 2 : i32
    %mul3A_0 = arith.muli %arg1, %mul3A : i32
    %add3A = arith.addi %mul3A_0, %arg0 : i32
    %mul3A_1 = arith.constant 512 : i32
    %mul3A_2 = arith.muli %add3A, %mul3A_1 : i32
    %add3A_3 = arith.constant 0 : i32
    %add3A_4 = arith.addi %mul3A_2, %add3A_3 : i32
    "tpu.region"() ({
      %run_scoped3A = tpu.sem_alloc : memref<!tpu.dma_semaphore, #tpu.memory_space<semaphore_mem>>
      %dma_start3A_33 = tpu.memref_slice %arg3[%add3A_4] : memref<16384xi32, #tpu.memory_space<hbm>> -> memref<128xi32, #tpu.memory_space<hbm>>
      %dma_start3A_34 = tpu.memref_slice %arg3[%add3A_4] : memref<16384xi32, #tpu.memory_space<hbm>> -> memref<128xi32, #tpu.memory_space<hbm>>
      tpu.enqueue_dma source(%dma_start3A_34 : memref<128xi32, #tpu.memory_space<hbm>>) target(%arg5 : memref<128xi32, #tpu.memory_space<vmem>>) target_semaphore(%run_scoped3A : memref<!tpu.dma_semaphore, #tpu.memory_space<semaphore_mem>>)
      %dma_wait3A_35 = tpu.memref_slice %arg3[%add3A_4] : memref<16384xi32, #tpu.memory_space<hbm>> -> memref<128xi32, #tpu.memory_space<hbm>>
      %dma_wait3A_36 = tpu.memref_slice %arg3[%add3A_4] : memref<16384xi32, #tpu.memory_space<hbm>> -> memref<128xi32, #tpu.memory_space<hbm>>
      tpu.wait_dma2 semaphore(%run_scoped3A : memref<!tpu.dma_semaphore, #tpu.memory_space<semaphore_mem>>) src(%dma_wait3A_36 : memref<128xi32, #tpu.memory_space<hbm>>) dst(%arg5 : memref<128xi32, #tpu.memory_space<vmem>>)
      tpu.yield
    }) : () -> ()
    %dma_start3A = arith.constant 0 : i32
    %dma_start3A_5 = arith.constant 0 : i32
    %dma_start3A_6 = tpu.memref_slice %arg2[%dma_start3A, %dma_start3A_5] : memref<1000x256xf32, #tpu.memory_space<hbm>> -> memref<1000x256xf32, #tpu.memory_space<hbm>>
    tpu.enqueue_indirect_dma source(%dma_start3A_6 : memref<1000x256xf32, #tpu.memory_space<hbm>>) target(%arg6 : memref<128x256xf32, #tpu.memory_space<vmem>>) offsets(%arg5 : memref<128xi32, #tpu.memory_space<vmem>>) semaphore(%arg7 : memref<!tpu.dma_semaphore, #tpu.memory_space<semaphore_mem>>)
    %dma_wait3A = arith.constant 0 : i32
    %dma_wait3A_7 = arith.constant 0 : i32
    %dma_wait3A_8 = tpu.memref_slice %arg2[%dma_wait3A, %dma_wait3A_7] : memref<1000x256xf32, #tpu.memory_space<hbm>> -> memref<1000x256xf32, #tpu.memory_space<hbm>>
    tpu.wait_indirect_dma semaphore(%arg7 : memref<!tpu.dma_semaphore, #tpu.memory_space<semaphore_mem>>) src(%dma_wait3A_8 : memref<1000x256xf32, #tpu.memory_space<hbm>>) dst(%arg6 : memref<128x256xf32, #tpu.memory_space<vmem>>)
    "tpu.region"() ({
      %run_scoped3A = tpu.sem_alloc : memref<!tpu.dma_semaphore, #tpu.memory_space<semaphore_mem>>
      %dma_start3A_33 = arith.constant 0 : i32
      %dma_start3A_34 = tpu.memref_slice %arg4[%add3A_4, %dma_start3A_33] : memref<16384x256xf32, #tpu.memory_space<hbm>> -> memref<128x256xf32, #tpu.memory_space<hbm>>
      %dma_start3A_35 = arith.constant 0 : i32
      %dma_start3A_36 = tpu.memref_slice %arg4[%add3A_4, %dma_start3A_35] : memref<16384x256xf32, #tpu.memory_space<hbm>> -> memref<128x256xf32, #tpu.memory_space<hbm>>
      tpu.enqueue_dma source(%arg6 : memref<128x256xf32, #tpu.memory_space<vmem>>) target(%dma_start3A_36 : memref<128x256xf32, #tpu.memory_space<hbm>>) target_semaphore(%run_scoped3A : memref<!tpu.dma_semaphore, #tpu.memory_space<semaphore_mem>>)
      %dma_wait3A_37 = arith.constant 0 : i32
      %dma_wait3A_38 = tpu.memref_slice %arg4[%add3A_4, %dma_wait3A_37] : memref<16384x256xf32, #tpu.memory_space<hbm>> -> memref<128x256xf32, #tpu.memory_space<hbm>>
      %dma_wait3A_39 = arith.constant 0 : i32
      %dma_wait3A_40 = tpu.memref_slice %arg4[%add3A_4, %dma_wait3A_39] : memref<16384x256xf32, #tpu.memory_space<hbm>> -> memref<128x256xf32, #tpu.memory_space<hbm>>
      tpu.wait_dma2 semaphore(%run_scoped3A : memref<!tpu.dma_semaphore, #tpu.memory_space<semaphore_mem>>) src(%arg6 : memref<128x256xf32, #tpu.memory_space<vmem>>) dst(%dma_wait3A_40 : memref<128x256xf32, #tpu.memory_space<hbm>>)
      tpu.yield
    }) : () -> ()
    %add3A_9 = arith.constant 128 : i32
    %add3A_10 = arith.addi %mul3A_2, %add3A_9 : i32
    "tpu.region"() ({
      %run_scoped3A = tpu.sem_alloc : memref<!tpu.dma_semaphore, #tpu.memory_space<semaphore_mem>>
      %dma_start3A_33 = tpu.memref_slice %arg3[%add3A_10] : memref<16384xi32, #tpu.memory_space<hbm>> -> memref<128xi32, #tpu.memory_space<hbm>>
      %dma_start3A_34 = tpu.memref_slice %arg3[%add3A_10] : memref<16384xi32, #tpu.memory_space<hbm>> -> memref<128xi32, #tpu.memory_space<hbm>>
      tpu.enqueue_dma source(%dma_start3A_34 : memref<128xi32, #tpu.memory_space<hbm>>) target(%arg5 : memref<128xi32, #tpu.memory_space<vmem>>) target_semaphore(%run_scoped3A : memref<!tpu.dma_semaphore, #tpu.memory_space<semaphore_mem>>)
      %dma_wait3A_35 = tpu.memref_slice %arg3[%add3A_10] : memref<16384xi32, #tpu.memory_space<hbm>> -> memref<128xi32, #tpu.memory_space<hbm>>
      %dma_wait3A_36 = tpu.memref_slice %arg3[%add3A_10] : memref<16384xi32, #tpu.memory_space<hbm>> -> memref<128xi32, #tpu.memory_space<hbm>>
      tpu.wait_dma2 semaphore(%run_scoped3A : memref<!tpu.dma_semaphore, #tpu.memory_space<semaphore_mem>>) src(%dma_wait3A_36 : memref<128xi32, #tpu.memory_space<hbm>>) dst(%arg5 : memref<128xi32, #tpu.memory_space<vmem>>)
      tpu.yield
    }) : () -> ()
    %dma_start3A_11 = arith.constant 0 : i32
    %dma_start3A_12 = arith.constant 0 : i32
    %dma_start3A_13 = tpu.memref_slice %arg2[%dma_start3A_11, %dma_start3A_12] : memref<1000x256xf32, #tpu.memory_space<hbm>> -> memref<1000x256xf32, #tpu.memory_space<hbm>>
    tpu.enqueue_indirect_dma source(%dma_start3A_13 : memref<1000x256xf32, #tpu.memory_space<hbm>>) target(%arg6 : memref<128x256xf32, #tpu.memory_space<vmem>>) offsets(%arg5 : memref<128xi32, #tpu.memory_space<vmem>>) semaphore(%arg7 : memref<!tpu.dma_semaphore, #tpu.memory_space<semaphore_mem>>)
    %dma_wait3A_14 = arith.constant 0 : i32
    %dma_wait3A_15 = arith.constant 0 : i32
    %dma_wait3A_16 = tpu.memref_slice %arg2[%dma_wait3A_14, %dma_wait3A_15] : memref<1000x256xf32, #tpu.memory_space<hbm>> -> memref<1000x256xf32, #tpu.memory_space<hbm>>
    tpu.wait_indirect_dma semaphore(%arg7 : memref<!tpu.dma_semaphore, #tpu.memory_space<semaphore_mem>>) src(%dma_wait3A_16 : memref<1000x256xf32, #tpu.memory_space<hbm>>) dst(%arg6 : memref<128x256xf32, #tpu.memory_space<vmem>>)
    "tpu.region"() ({
      %run_scoped3A = tpu.sem_alloc : memref<!tpu.dma_semaphore, #tpu.memory_space<semaphore_mem>>
      %dma_start3A_33 = arith.constant 0 : i32
      %dma_start3A_34 = tpu.memref_slice %arg4[%add3A_10, %dma_start3A_33] : memref<16384x256xf32, #tpu.memory_space<hbm>> -> memref<128x256xf32, #tpu.memory_space<hbm>>
      %dma_start3A_35 = arith.constant 0 : i32
      %dma_start3A_36 = tpu.memref_slice %arg4[%add3A_10, %dma_start3A_35] : memref<16384x256xf32, #tpu.memory_space<hbm>> -> memref<128x256xf32, #tpu.memory_space<hbm>>
      tpu.enqueue_dma source(%arg6 : memref<128x256xf32, #tpu.memory_space<vmem>>) target(%dma_start3A_36 : memref<128x256xf32, #tpu.memory_space<hbm>>) target_semaphore(%run_scoped3A : memref<!tpu.dma_semaphore, #tpu.memory_space<semaphore_mem>>)
      %dma_wait3A_37 = arith.constant 0 : i32
      %dma_wait3A_38 = tpu.memref_slice %arg4[%add3A_10, %dma_wait3A_37] : memref<16384x256xf32, #tpu.memory_space<hbm>> -> memref<128x256xf32, #tpu.memory_space<hbm>>
      %dma_wait3A_39 = arith.constant 0 : i32
      %dma_wait3A_40 = tpu.memref_slice %arg4[%add3A_10, %dma_wait3A_39] : memref<16384x256xf32, #tpu.memory_space<hbm>> -> memref<128x256xf32, #tpu.memory_space<hbm>>
      tpu.wait_dma2 semaphore(%run_scoped3A : memref<!tpu.dma_semaphore, #tpu.memory_space<semaphore_mem>>) src(%arg6 : memref<128x256xf32, #tpu.memory_space<vmem>>) dst(%dma_wait3A_40 : memref<128x256xf32, #tpu.memory_space<hbm>>)
      tpu.yield
    }) : () -> ()
    %add3A_17 = arith.constant 256 : i32
    %add3A_18 = arith.addi %mul3A_2, %add3A_17 : i32
    "tpu.region"() ({
      %run_scoped3A = tpu.sem_alloc : memref<!tpu.dma_semaphore, #tpu.memory_space<semaphore_mem>>
      %dma_start3A_33 = tpu.memref_slice %arg3[%add3A_18] : memref<16384xi32, #tpu.memory_space<hbm>> -> memref<128xi32, #tpu.memory_space<hbm>>
      %dma_start3A_34 = tpu.memref_slice %arg3[%add3A_18] : memref<16384xi32, #tpu.memory_space<hbm>> -> memref<128xi32, #tpu.memory_space<hbm>>
      tpu.enqueue_dma source(%dma_start3A_34 : memref<128xi32, #tpu.memory_space<hbm>>) target(%arg5 : memref<128xi32, #tpu.memory_space<vmem>>) target_semaphore(%run_scoped3A : memref<!tpu.dma_semaphore, #tpu.memory_space<semaphore_mem>>)
      %dma_wait3A_35 = tpu.memref_slice %arg3[%add3A_18] : memref<16384xi32, #tpu.memory_space<hbm>> -> memref<128xi32, #tpu.memory_space<hbm>>
      %dma_wait3A_36 = tpu.memref_slice %arg3[%add3A_18] : memref<16384xi32, #tpu.memory_space<hbm>> -> memref<128xi32, #tpu.memory_space<hbm>>
      tpu.wait_dma2 semaphore(%run_scoped3A : memref<!tpu.dma_semaphore, #tpu.memory_space<semaphore_mem>>) src(%dma_wait3A_36 : memref<128xi32, #tpu.memory_space<hbm>>) dst(%arg5 : memref<128xi32, #tpu.memory_space<vmem>>)
      tpu.yield
    }) : () -> ()
    %dma_start3A_19 = arith.constant 0 : i32
    %dma_start3A_20 = arith.constant 0 : i32
    %dma_start3A_21 = tpu.memref_slice %arg2[%dma_start3A_19, %dma_start3A_20] : memref<1000x256xf32, #tpu.memory_space<hbm>> -> memref<1000x256xf32, #tpu.memory_space<hbm>>
    tpu.enqueue_indirect_dma source(%dma_start3A_21 : memref<1000x256xf32, #tpu.memory_space<hbm>>) target(%arg6 : memref<128x256xf32, #tpu.memory_space<vmem>>) offsets(%arg5 : memref<128xi32, #tpu.memory_space<vmem>>) semaphore(%arg7 : memref<!tpu.dma_semaphore, #tpu.memory_space<semaphore_mem>>)
    %dma_wait3A_22 = arith.constant 0 : i32
    %dma_wait3A_23 = arith.constant 0 : i32
    %dma_wait3A_24 = tpu.memref_slice %arg2[%dma_wait3A_22, %dma_wait3A_23] : memref<1000x256xf32, #tpu.memory_space<hbm>> -> memref<1000x256xf32, #tpu.memory_space<hbm>>
    tpu.wait_indirect_dma semaphore(%arg7 : memref<!tpu.dma_semaphore, #tpu.memory_space<semaphore_mem>>) src(%dma_wait3A_24 : memref<1000x256xf32, #tpu.memory_space<hbm>>) dst(%arg6 : memref<128x256xf32, #tpu.memory_space<vmem>>)
    "tpu.region"() ({
      %run_scoped3A = tpu.sem_alloc : memref<!tpu.dma_semaphore, #tpu.memory_space<semaphore_mem>>
      %dma_start3A_33 = arith.constant 0 : i32
      %dma_start3A_34 = tpu.memref_slice %arg4[%add3A_18, %dma_start3A_33] : memref<16384x256xf32, #tpu.memory_space<hbm>> -> memref<128x256xf32, #tpu.memory_space<hbm>>
      %dma_start3A_35 = arith.constant 0 : i32
      %dma_start3A_36 = tpu.memref_slice %arg4[%add3A_18, %dma_start3A_35] : memref<16384x256xf32, #tpu.memory_space<hbm>> -> memref<128x256xf32, #tpu.memory_space<hbm>>
      tpu.enqueue_dma source(%arg6 : memref<128x256xf32, #tpu.memory_space<vmem>>) target(%dma_start3A_36 : memref<128x256xf32, #tpu.memory_space<hbm>>) target_semaphore(%run_scoped3A : memref<!tpu.dma_semaphore, #tpu.memory_space<semaphore_mem>>)
      %dma_wait3A_37 = arith.constant 0 : i32
      %dma_wait3A_38 = tpu.memref_slice %arg4[%add3A_18, %dma_wait3A_37] : memref<16384x256xf32, #tpu.memory_space<hbm>> -> memref<128x256xf32, #tpu.memory_space<hbm>>
      %dma_wait3A_39 = arith.constant 0 : i32
      %dma_wait3A_40 = tpu.memref_slice %arg4[%add3A_18, %dma_wait3A_39] : memref<16384x256xf32, #tpu.memory_space<hbm>> -> memref<128x256xf32, #tpu.memory_space<hbm>>
      tpu.wait_dma2 semaphore(%run_scoped3A : memref<!tpu.dma_semaphore, #tpu.memory_space<semaphore_mem>>) src(%arg6 : memref<128x256xf32, #tpu.memory_space<vmem>>) dst(%dma_wait3A_40 : memref<128x256xf32, #tpu.memory_space<hbm>>)
      tpu.yield
    }) : () -> ()
    %add3A_25 = arith.constant 384 : i32
    %add3A_26 = arith.addi %mul3A_2, %add3A_25 : i32
    "tpu.region"() ({
      %run_scoped3A = tpu.sem_alloc : memref<!tpu.dma_semaphore, #tpu.memory_space<semaphore_mem>>
      %dma_start3A_33 = tpu.memref_slice %arg3[%add3A_26] : memref<16384xi32, #tpu.memory_space<hbm>> -> memref<128xi32, #tpu.memory_space<hbm>>
      %dma_start3A_34 = tpu.memref_slice %arg3[%add3A_26] : memref<16384xi32, #tpu.memory_space<hbm>> -> memref<128xi32, #tpu.memory_space<hbm>>
      tpu.enqueue_dma source(%dma_start3A_34 : memref<128xi32, #tpu.memory_space<hbm>>) target(%arg5 : memref<128xi32, #tpu.memory_space<vmem>>) target_semaphore(%run_scoped3A : memref<!tpu.dma_semaphore, #tpu.memory_space<semaphore_mem>>)
      %dma_wait3A_35 = tpu.memref_slice %arg3[%add3A_26] : memref<16384xi32, #tpu.memory_space<hbm>> -> memref<128xi32, #tpu.memory_space<hbm>>
      %dma_wait3A_36 = tpu.memref_slice %arg3[%add3A_26] : memref<16384xi32, #tpu.memory_space<hbm>> -> memref<128xi32, #tpu.memory_space<hbm>>
      tpu.wait_dma2 semaphore(%run_scoped3A : memref<!tpu.dma_semaphore, #tpu.memory_space<semaphore_mem>>) src(%dma_wait3A_36 : memref<128xi32, #tpu.memory_space<hbm>>) dst(%arg5 : memref<128xi32, #tpu.memory_space<vmem>>)
      tpu.yield
    }) : () -> ()
    %dma_start3A_27 = arith.constant 0 : i32
    %dma_start3A_28 = arith.constant 0 : i32
    %dma_start3A_29 = tpu.memref_slice %arg2[%dma_start3A_27, %dma_start3A_28] : memref<1000x256xf32, #tpu.memory_space<hbm>> -> memref<1000x256xf32, #tpu.memory_space<hbm>>
    tpu.enqueue_indirect_dma source(%dma_start3A_29 : memref<1000x256xf32, #tpu.memory_space<hbm>>) target(%arg6 : memref<128x256xf32, #tpu.memory_space<vmem>>) offsets(%arg5 : memref<128xi32, #tpu.memory_space<vmem>>) semaphore(%arg7 : memref<!tpu.dma_semaphore, #tpu.memory_space<semaphore_mem>>)
    %dma_wait3A_30 = arith.constant 0 : i32
    %dma_wait3A_31 = arith.constant 0 : i32
    %dma_wait3A_32 = tpu.memref_slice %arg2[%dma_wait3A_30, %dma_wait3A_31] : memref<1000x256xf32, #tpu.memory_space<hbm>> -> memref<1000x256xf32, #tpu.memory_space<hbm>>
    tpu.wait_indirect_dma semaphore(%arg7 : memref<!tpu.dma_semaphore, #tpu.memory_space<semaphore_mem>>) src(%dma_wait3A_32 : memref<1000x256xf32, #tpu.memory_space<hbm>>) dst(%arg6 : memref<128x256xf32, #tpu.memory_space<vmem>>)
    "tpu.region"() ({
      %run_scoped3A = tpu.sem_alloc : memref<!tpu.dma_semaphore, #tpu.memory_space<semaphore_mem>>
      %dma_start3A_33 = arith.constant 0 : i32
      %dma_start3A_34 = tpu.memref_slice %arg4[%add3A_26, %dma_start3A_33] : memref<16384x256xf32, #tpu.memory_space<hbm>> -> memref<128x256xf32, #tpu.memory_space<hbm>>
      %dma_start3A_35 = arith.constant 0 : i32
      %dma_start3A_36 = tpu.memref_slice %arg4[%add3A_26, %dma_start3A_35] : memref<16384x256xf32, #tpu.memory_space<hbm>> -> memref<128x256xf32, #tpu.memory_space<hbm>>
      tpu.enqueue_dma source(%arg6 : memref<128x256xf32, #tpu.memory_space<vmem>>) target(%dma_start3A_36 : memref<128x256xf32, #tpu.memory_space<hbm>>) target_semaphore(%run_scoped3A : memref<!tpu.dma_semaphore, #tpu.memory_space<semaphore_mem>>)
      %dma_wait3A_37 = arith.constant 0 : i32
      %dma_wait3A_38 = tpu.memref_slice %arg4[%add3A_26, %dma_wait3A_37] : memref<16384x256xf32, #tpu.memory_space<hbm>> -> memref<128x256xf32, #tpu.memory_space<hbm>>
      %dma_wait3A_39 = arith.constant 0 : i32
      %dma_wait3A_40 = tpu.memref_slice %arg4[%add3A_26, %dma_wait3A_39] : memref<16384x256xf32, #tpu.memory_space<hbm>> -> memref<128x256xf32, #tpu.memory_space<hbm>>
      tpu.wait_dma2 semaphore(%run_scoped3A : memref<!tpu.dma_semaphore, #tpu.memory_space<semaphore_mem>>) src(%arg6 : memref<128x256xf32, #tpu.memory_space<vmem>>) dst(%dma_wait3A_40 : memref<128x256xf32, #tpu.memory_space<hbm>>)
      tpu.yield
    }) : () -> ()
    return
  }
}

module attributes {stable_mosaic.version = 14 : i64} {
  func.func @_gru_body(%arg0: i32, %arg1: memref<16x64x256xf32, #tpu.memory_space<vmem>>, %arg2: memref<256x3072xbf16, #tpu.memory_space<vmem>>, %arg3: memref<1024x3072xbf16, #tpu.memory_space<vmem>>, %arg4: memref<2x3072xf32, #tpu.memory_space<vmem>>, %arg5: memref<1024x1000xbf16, #tpu.memory_space<vmem>>, %arg6: memref<1x1000xf32, #tpu.memory_space<vmem>>, %arg7: memref<16x64x1000xf32, #tpu.memory_space<vmem>>, %arg8: memref<64x1024xf32, #tpu.memory_space<vmem>>, %arg9: memref<1024x1024xbf16, #tpu.memory_space<vmem>>) attributes {dimension_semantics = [#tpu.dimension_semantics<arbitrary>], iteration_bounds = array<i64: 16>, scalar_prefetch = 0 : i64, scratch_operands = 2 : i64, tpu.core_type = #tpu.core_type<tc>, window_params = [{transform_indices = @transform_0, window_bounds = array<i64: 16, 64, 256>}, {pipeline_mode = #tpu.pipeline_mode<synchronous>, transform_indices = @transform_1, window_bounds = array<i64: 256, 3072>}, {pipeline_mode = #tpu.pipeline_mode<synchronous>, transform_indices = @transform_2, window_bounds = array<i64: 1024, 3072>}, {pipeline_mode = #tpu.pipeline_mode<synchronous>, transform_indices = @transform_3, window_bounds = array<i64: 2, 3072>}, {pipeline_mode = #tpu.pipeline_mode<synchronous>, transform_indices = @transform_4, window_bounds = array<i64: 1024, 1000>}, {pipeline_mode = #tpu.pipeline_mode<synchronous>, transform_indices = @transform_5, window_bounds = array<i64: 1, 1000>}, {transform_indices = @transform_6, window_bounds = array<i64: 16, 64, 1000>}]} {
    %eq3A = arith.constant 0 : i32
    %eq3A_0 = arith.cmpi eq, %arg0, %eq3A : i32
    %convert_element_type3A = arith.extui %eq3A_0 : i1 to i32
    %cond3A = arith.constant 0 : i32
    %cond3A_1 = arith.cmpi ne, %convert_element_type3A, %cond3A : i32
    scf.if %cond3A_1 {
      %broadcast_in_dim3A_730 = arith.constant 0.000000e+00 : f32
      %broadcast_in_dim3A_731 = vector.broadcast %broadcast_in_dim3A_730 : f32 to vector<64x1024xf32>
      %swap3A_732 = arith.constant 0 : index
      %swap3A_733 = arith.constant 0 : index
      %swap3A_734 = vector.load %arg8[%swap3A_732, %swap3A_733] : memref<64x1024xf32, #tpu.memory_space<vmem>>, vector<64x1024xf32>
      tpu.vector_store %arg8[%swap3A_732, %swap3A_733], %broadcast_in_dim3A_731 {strides = array<i32>} : memref<64x1024xf32, #tpu.memory_space<vmem>>, vector<64x1024xf32>,
    } else {
    }
    %get3A = arith.constant 0 : index
    %get3A_2 = arith.constant 0 : index
    %get3A_3 = vector.load %arg4[%get3A, %get3A_2] : memref<2x3072xf32, #tpu.memory_space<vmem>>, vector<1x3072xf32>
    %get3A_4 = vector.shape_cast %get3A_3 : vector<1x3072xf32> to vector<3072xf32>
    %get3A_5 = arith.constant 1 : index
    %get3A_6 = arith.constant 0 : index
    %get3A_7 = vector.load %arg4[%get3A_5, %get3A_6] : memref<2x3072xf32, #tpu.memory_space<vmem>>, vector<1x3072xf32>
    %get3A_8 = vector.shape_cast %get3A_7 : vector<1x3072xf32> to vector<3072xf32>
    %slice3A = vector.extract_strided_slice %get3A_8 {offsets = [0], sizes = [2048], strides = [1]} : vector<3072xf32> to vector<2048xf32>
    %broadcast_in_dim3A = arith.constant 0.000000e+00 : f32
    %broadcast_in_dim3A_9 = vector.broadcast %broadcast_in_dim3A : f32 to vector<1024xf32>
    %concatenate3A = tpu.concatenate %slice3A, %broadcast_in_dim3A_9 in 0 : vector<2048xf32>, vector<1024xf32> -> vector<3072xf32>
    %add3A = arith.addf %get3A_4, %concatenate3A : vector<3072xf32>
    %slice3A_10 = vector.extract_strided_slice %get3A_8 {offsets = [2048], sizes = [1024], strides = [1]} : vector<3072xf32> to vector<1024xf32>
    %get3A_11 = arith.constant 0 : index
    %get3A_12 = arith.constant 0 : index
    %get3A_13 = arith.constant 0 : index
    %get3A_14 = vector.load %arg1[%get3A_11, %get3A_12, %get3A_13] : memref<16x64x256xf32, #tpu.memory_space<vmem>>, vector<16x64x256xf32>
    %reshape3A = vector.shape_cast %get3A_14 : vector<16x64x256xf32> to vector<1024x256xf32>
    %convert_element_type3A_15 = arith.truncf %reshape3A : vector<1024x256xf32> to vector<1024x256xbf16>
    %get3A_16 = arith.constant 0 : index
    %get3A_17 = arith.constant 0 : index
    %get3A_18 = vector.load %arg2[%get3A_16, %get3A_17] : memref<256x3072xbf16, #tpu.memory_space<vmem>>, vector<256x3072xbf16>
    %dot_general3A = arith.constant dense<0.000000e+00> : vector<1024x3072xf32>
    %dot_general3A_19 = tpu.matmul %convert_element_type3A_15, %get3A_18, %dot_general3A {dimension_numbers = #tpu.dot_dimension_numbers<[1], [0], [0], [1], [0, 0, 1, 1], [], []>, transpose_lhs_hint = false} : vector<1024x256xbf16>, vector<256x3072xbf16>, vector<1024x3072xf32> -> vector<1024x3072xf32>
    %broadcast_in_dim3A_20 = vector.shape_cast %add3A : vector<3072xf32> to vector<1x3072xf32>
    %add3A_21 = vector.broadcast %broadcast_in_dim3A_20 : vector<1x3072xf32> to vector<1024x3072xf32>
    %add3A_22 = arith.addf %dot_general3A_19, %add3A_21 : vector<1024x3072xf32>
    %get3A_23 = arith.constant 0 : index
    %get3A_24 = arith.constant 0 : index
    %get3A_25 = vector.load %arg8[%get3A_23, %get3A_24] : memref<64x1024xf32, #tpu.memory_space<vmem>>, vector<64x1024xf32>
    %slice3A_26 = vector.extract_strided_slice %add3A_22 {offsets = [0, 0], sizes = [64, 3072], strides = [1, 1]} : vector<1024x3072xf32> to vector<64x3072xf32>
    %convert_element_type3A_27 = arith.truncf %get3A_25 : vector<64x1024xf32> to vector<64x1024xbf16>
    %get3A_28 = arith.constant 0 : index
    %get3A_29 = arith.constant 0 : index
    %get3A_30 = vector.load %arg3[%get3A_28, %get3A_29] : memref<1024x3072xbf16, #tpu.memory_space<vmem>>, vector<1024x3072xbf16>
    %dot_general3A_31 = arith.constant dense<0.000000e+00> : vector<64x3072xf32>
    %dot_general3A_32 = tpu.matmul %convert_element_type3A_27, %get3A_30, %dot_general3A_31 {dimension_numbers = #tpu.dot_dimension_numbers<[1], [0], [0], [1], [0, 0, 1, 1], [], []>, transpose_lhs_hint = false} : vector<64x1024xbf16>, vector<1024x3072xbf16>, vector<64x3072xf32> -> vector<64x3072xf32>
    %slice3A_33 = vector.extract_strided_slice %slice3A_26 {offsets = [0, 0], sizes = [64, 1024], strides = [1, 1]} : vector<64x3072xf32> to vector<64x1024xf32>
    %slice3A_34 = vector.extract_strided_slice %dot_general3A_32 {offsets = [0, 0], sizes = [64, 1024], strides = [1, 1]} : vector<64x3072xf32> to vector<64x1024xf32>
    %add3A_35 = arith.addf %slice3A_33, %slice3A_34 : vector<64x1024xf32>
    %logistic3A = arith.negf %add3A_35 : vector<64x1024xf32>
    %logistic3A_36 = math.exp %logistic3A : vector<64x1024xf32>
    %logistic3A_37 = arith.constant 1.000000e+00 : f32
    %logistic3A_38 = vector.broadcast %logistic3A_37 : f32 to vector<64x1024xf32>
    %logistic3A_39 = arith.addf %logistic3A_38, %logistic3A_36 : vector<64x1024xf32>
    %logistic3A_40 = arith.divf %logistic3A_38, %logistic3A_39 : vector<64x1024xf32>
    %slice3A_41 = vector.extract_strided_slice %slice3A_26 {offsets = [0, 1024], sizes = [64, 1024], strides = [1, 1]} : vector<64x3072xf32> to vector<64x1024xf32>
    %slice3A_42 = vector.extract_strided_slice %dot_general3A_32 {offsets = [0, 1024], sizes = [64, 1024], strides = [1, 1]} : vector<64x3072xf32> to vector<64x1024xf32>
    %add3A_43 = arith.addf %slice3A_41, %slice3A_42 : vector<64x1024xf32>
    %logistic3A_44 = arith.negf %add3A_43 : vector<64x1024xf32>
    %logistic3A_45 = math.exp %logistic3A_44 : vector<64x1024xf32>
    %logistic3A_46 = arith.constant 1.000000e+00 : f32
    %logistic3A_47 = vector.broadcast %logistic3A_46 : f32 to vector<64x1024xf32>
    %logistic3A_48 = arith.addf %logistic3A_47, %logistic3A_45 : vector<64x1024xf32>
    %logistic3A_49 = arith.divf %logistic3A_47, %logistic3A_48 : vector<64x1024xf32>
    %slice3A_50 = vector.extract_strided_slice %slice3A_26 {offsets = [0, 2048], sizes = [64, 1024], strides = [1, 1]} : vector<64x3072xf32> to vector<64x1024xf32>
    %slice3A_51 = vector.extract_strided_slice %dot_general3A_32 {offsets = [0, 2048], sizes = [64, 1024], strides = [1, 1]} : vector<64x3072xf32> to vector<64x1024xf32>
    %broadcast_in_dim3A_52 = vector.shape_cast %slice3A_10 : vector<1024xf32> to vector<1x1024xf32>
    %add3A_53 = vector.broadcast %broadcast_in_dim3A_52 : vector<1x1024xf32> to vector<64x1024xf32>
    %add3A_54 = arith.addf %slice3A_51, %add3A_53 : vector<64x1024xf32>
    %mul3A = arith.mulf %logistic3A_49, %add3A_54 : vector<64x1024xf32>
    %add3A_55 = arith.addf %slice3A_50, %mul3A : vector<64x1024xf32>
    %tanh3A = math.tanh %add3A_55 : vector<64x1024xf32>
    %mul3A_56 = arith.mulf %logistic3A_40, %get3A_25 : vector<64x1024xf32>
    %sub3A = arith.constant 1.000000e+00 : f32
    %sub3A_57 = vector.broadcast %sub3A : f32 to vector<64x1024xf32>
    %sub3A_58 = arith.subf %sub3A_57, %logistic3A_40 : vector<64x1024xf32>
    %mul3A_59 = arith.mulf %sub3A_58, %tanh3A : vector<64x1024xf32>
    %add3A_60 = arith.addf %mul3A_56, %mul3A_59 : vector<64x1024xf32>
    %convert_element_type3A_61 = arith.truncf %add3A_60 : vector<64x1024xf32> to vector<64x1024xbf16>
    %swap3A = arith.constant 0 : index
    %swap3A_62 = arith.constant 0 : index
    %swap3A_63 = vector.load %arg9[%swap3A, %swap3A_62] : memref<1024x1024xbf16, #tpu.memory_space<vmem>>, vector<64x1024xbf16>
    tpu.vector_store %arg9[%swap3A, %swap3A_62], %convert_element_type3A_61 {strides = array<i32>} : memref<1024x1024xbf16, #tpu.memory_space<vmem>>, vector<64x1024xbf16>,
    %slice3A_64 = vector.extract_strided_slice %add3A_22 {offsets = [64, 0], sizes = [64, 3072], strides = [1, 1]} : vector<1024x3072xf32> to vector<64x3072xf32>
    %convert_element_type3A_65 = arith.truncf %add3A_60 : vector<64x1024xf32> to vector<64x1024xbf16>
    %get3A_66 = arith.constant 0 : index
    %get3A_67 = arith.constant 0 : index
    %get3A_68 = vector.load %arg3[%get3A_66, %get3A_67] : memref<1024x3072xbf16, #tpu.memory_space<vmem>>, vector<1024x3072xbf16>
    %dot_general3A_69 = arith.constant dense<0.000000e+00> : vector<64x3072xf32>
    %dot_general3A_70 = tpu.matmul %convert_element_type3A_65, %get3A_68, %dot_general3A_69 {dimension_numbers = #tpu.dot_dimension_numbers<[1], [0], [0], [1], [0, 0, 1, 1], [], []>, transpose_lhs_hint = false} : vector<64x1024xbf16>, vector<1024x3072xbf16>, vector<64x3072xf32> -> vector<64x3072xf32>
    %slice3A_71 = vector.extract_strided_slice %slice3A_64 {offsets = [0, 0], sizes = [64, 1024], strides = [1, 1]} : vector<64x3072xf32> to vector<64x1024xf32>
    %slice3A_72 = vector.extract_strided_slice %dot_general3A_70 {offsets = [0, 0], sizes = [64, 1024], strides = [1, 1]} : vector<64x3072xf32> to vector<64x1024xf32>
    %add3A_73 = arith.addf %slice3A_71, %slice3A_72 : vector<64x1024xf32>
    %logistic3A_74 = arith.negf %add3A_73 : vector<64x1024xf32>
    %logistic3A_75 = math.exp %logistic3A_74 : vector<64x1024xf32>
    %logistic3A_76 = arith.constant 1.000000e+00 : f32
    %logistic3A_77 = vector.broadcast %logistic3A_76 : f32 to vector<64x1024xf32>
    %logistic3A_78 = arith.addf %logistic3A_77, %logistic3A_75 : vector<64x1024xf32>
    %logistic3A_79 = arith.divf %logistic3A_77, %logistic3A_78 : vector<64x1024xf32>
    %slice3A_80 = vector.extract_strided_slice %slice3A_64 {offsets = [0, 1024], sizes = [64, 1024], strides = [1, 1]} : vector<64x3072xf32> to vector<64x1024xf32>
    %slice3A_81 = vector.extract_strided_slice %dot_general3A_70 {offsets = [0, 1024], sizes = [64, 1024], strides = [1, 1]} : vector<64x3072xf32> to vector<64x1024xf32>
    %add3A_82 = arith.addf %slice3A_80, %slice3A_81 : vector<64x1024xf32>
    %logistic3A_83 = arith.negf %add3A_82 : vector<64x1024xf32>
    %logistic3A_84 = math.exp %logistic3A_83 : vector<64x1024xf32>
    %logistic3A_85 = arith.constant 1.000000e+00 : f32
    %logistic3A_86 = vector.broadcast %logistic3A_85 : f32 to vector<64x1024xf32>
    %logistic3A_87 = arith.addf %logistic3A_86, %logistic3A_84 : vector<64x1024xf32>
    %logistic3A_88 = arith.divf %logistic3A_86, %logistic3A_87 : vector<64x1024xf32>
    %slice3A_89 = vector.extract_strided_slice %slice3A_64 {offsets = [0, 2048], sizes = [64, 1024], strides = [1, 1]} : vector<64x3072xf32> to vector<64x1024xf32>
    %slice3A_90 = vector.extract_strided_slice %dot_general3A_70 {offsets = [0, 2048], sizes = [64, 1024], strides = [1, 1]} : vector<64x3072xf32> to vector<64x1024xf32>
    %broadcast_in_dim3A_91 = vector.shape_cast %slice3A_10 : vector<1024xf32> to vector<1x1024xf32>
    %add3A_92 = vector.broadcast %broadcast_in_dim3A_91 : vector<1x1024xf32> to vector<64x1024xf32>
    %add3A_93 = arith.addf %slice3A_90, %add3A_92 : vector<64x1024xf32>
    %mul3A_94 = arith.mulf %logistic3A_88, %add3A_93 : vector<64x1024xf32>
    %add3A_95 = arith.addf %slice3A_89, %mul3A_94 : vector<64x1024xf32>
    %tanh3A_96 = math.tanh %add3A_95 : vector<64x1024xf32>
    %mul3A_97 = arith.mulf %logistic3A_79, %add3A_60 : vector<64x1024xf32>
    %sub3A_98 = arith.constant 1.000000e+00 : f32
    %sub3A_99 = vector.broadcast %sub3A_98 : f32 to vector<64x1024xf32>
    %sub3A_100 = arith.subf %sub3A_99, %logistic3A_79 : vector<64x1024xf32>
    %mul3A_101 = arith.mulf %sub3A_100, %tanh3A_96 : vector<64x1024xf32>
    %add3A_102 = arith.addf %mul3A_97, %mul3A_101 : vector<64x1024xf32>
    %convert_element_type3A_103 = arith.truncf %add3A_102 : vector<64x1024xf32> to vector<64x1024xbf16>
    %swap3A_104 = arith.constant 64 : index
    %swap3A_105 = arith.constant 0 : index
    %swap3A_106 = vector.load %arg9[%swap3A_104, %swap3A_105] : memref<1024x1024xbf16, #tpu.memory_space<vmem>>, vector<64x1024xbf16>
    tpu.vector_store %arg9[%swap3A_104, %swap3A_105], %convert_element_type3A_103 {strides = array<i32>} : memref<1024x1024xbf16, #tpu.memory_space<vmem>>, vector<64x1024xbf16>,
    %slice3A_107 = vector.extract_strided_slice %add3A_22 {offsets = [128, 0], sizes = [64, 3072], strides = [1, 1]} : vector<1024x3072xf32> to vector<64x3072xf32>
    %convert_element_type3A_108 = arith.truncf %add3A_102 : vector<64x1024xf32> to vector<64x1024xbf16>
    %get3A_109 = arith.constant 0 : index
    %get3A_110 = arith.constant 0 : index
    %get3A_111 = vector.load %arg3[%get3A_109, %get3A_110] : memref<1024x3072xbf16, #tpu.memory_space<vmem>>, vector<1024x3072xbf16>
    %dot_general3A_112 = arith.constant dense<0.000000e+00> : vector<64x3072xf32>
    %dot_general3A_113 = tpu.matmul %convert_element_type3A_108, %get3A_111, %dot_general3A_112 {dimension_numbers = #tpu.dot_dimension_numbers<[1], [0], [0], [1], [0, 0, 1, 1], [], []>, transpose_lhs_hint = false} : vector<64x1024xbf16>, vector<1024x3072xbf16>, vector<64x3072xf32> -> vector<64x3072xf32>
    %slice3A_114 = vector.extract_strided_slice %slice3A_107 {offsets = [0, 0], sizes = [64, 1024], strides = [1, 1]} : vector<64x3072xf32> to vector<64x1024xf32>
    %slice3A_115 = vector.extract_strided_slice %dot_general3A_113 {offsets = [0, 0], sizes = [64, 1024], strides = [1, 1]} : vector<64x3072xf32> to vector<64x1024xf32>
    %add3A_116 = arith.addf %slice3A_114, %slice3A_115 : vector<64x1024xf32>
    %logistic3A_117 = arith.negf %add3A_116 : vector<64x1024xf32>
    %logistic3A_118 = math.exp %logistic3A_117 : vector<64x1024xf32>
    %logistic3A_119 = arith.constant 1.000000e+00 : f32
    %logistic3A_120 = vector.broadcast %logistic3A_119 : f32 to vector<64x1024xf32>
    %logistic3A_121 = arith.addf %logistic3A_120, %logistic3A_118 : vector<64x1024xf32>
    %logistic3A_122 = arith.divf %logistic3A_120, %logistic3A_121 : vector<64x1024xf32>
    %slice3A_123 = vector.extract_strided_slice %slice3A_107 {offsets = [0, 1024], sizes = [64, 1024], strides = [1, 1]} : vector<64x3072xf32> to vector<64x1024xf32>
    %slice3A_124 = vector.extract_strided_slice %dot_general3A_113 {offsets = [0, 1024], sizes = [64, 1024], strides = [1, 1]} : vector<64x3072xf32> to vector<64x1024xf32>
    %add3A_125 = arith.addf %slice3A_123, %slice3A_124 : vector<64x1024xf32>
    %logistic3A_126 = arith.negf %add3A_125 : vector<64x1024xf32>
    %logistic3A_127 = math.exp %logistic3A_126 : vector<64x1024xf32>
    %logistic3A_128 = arith.constant 1.000000e+00 : f32
    %logistic3A_129 = vector.broadcast %logistic3A_128 : f32 to vector<64x1024xf32>
    %logistic3A_130 = arith.addf %logistic3A_129, %logistic3A_127 : vector<64x1024xf32>
    %logistic3A_131 = arith.divf %logistic3A_129, %logistic3A_130 : vector<64x1024xf32>
    %slice3A_132 = vector.extract_strided_slice %slice3A_107 {offsets = [0, 2048], sizes = [64, 1024], strides = [1, 1]} : vector<64x3072xf32> to vector<64x1024xf32>
    %slice3A_133 = vector.extract_strided_slice %dot_general3A_113 {offsets = [0, 2048], sizes = [64, 1024], strides = [1, 1]} : vector<64x3072xf32> to vector<64x1024xf32>
    %broadcast_in_dim3A_134 = vector.shape_cast %slice3A_10 : vector<1024xf32> to vector<1x1024xf32>
    %add3A_135 = vector.broadcast %broadcast_in_dim3A_134 : vector<1x1024xf32> to vector<64x1024xf32>
    %add3A_136 = arith.addf %slice3A_133, %add3A_135 : vector<64x1024xf32>
    %mul3A_137 = arith.mulf %logistic3A_131, %add3A_136 : vector<64x1024xf32>
    %add3A_138 = arith.addf %slice3A_132, %mul3A_137 : vector<64x1024xf32>
    %tanh3A_139 = math.tanh %add3A_138 : vector<64x1024xf32>
    %mul3A_140 = arith.mulf %logistic3A_122, %add3A_102 : vector<64x1024xf32>
    %sub3A_141 = arith.constant 1.000000e+00 : f32
    %sub3A_142 = vector.broadcast %sub3A_141 : f32 to vector<64x1024xf32>
    %sub3A_143 = arith.subf %sub3A_142, %logistic3A_122 : vector<64x1024xf32>
    %mul3A_144 = arith.mulf %sub3A_143, %tanh3A_139 : vector<64x1024xf32>
    %add3A_145 = arith.addf %mul3A_140, %mul3A_144 : vector<64x1024xf32>
    %convert_element_type3A_146 = arith.truncf %add3A_145 : vector<64x1024xf32> to vector<64x1024xbf16>
    %swap3A_147 = arith.constant 128 : index
    %swap3A_148 = arith.constant 0 : index
    %swap3A_149 = vector.load %arg9[%swap3A_147, %swap3A_148] : memref<1024x1024xbf16, #tpu.memory_space<vmem>>, vector<64x1024xbf16>
    tpu.vector_store %arg9[%swap3A_147, %swap3A_148], %convert_element_type3A_146 {strides = array<i32>} : memref<1024x1024xbf16, #tpu.memory_space<vmem>>, vector<64x1024xbf16>,
    %slice3A_150 = vector.extract_strided_slice %add3A_22 {offsets = [192, 0], sizes = [64, 3072], strides = [1, 1]} : vector<1024x3072xf32> to vector<64x3072xf32>
    %convert_element_type3A_151 = arith.truncf %add3A_145 : vector<64x1024xf32> to vector<64x1024xbf16>
    %get3A_152 = arith.constant 0 : index
    %get3A_153 = arith.constant 0 : index
    %get3A_154 = vector.load %arg3[%get3A_152, %get3A_153] : memref<1024x3072xbf16, #tpu.memory_space<vmem>>, vector<1024x3072xbf16>
    %dot_general3A_155 = arith.constant dense<0.000000e+00> : vector<64x3072xf32>
    %dot_general3A_156 = tpu.matmul %convert_element_type3A_151, %get3A_154, %dot_general3A_155 {dimension_numbers = #tpu.dot_dimension_numbers<[1], [0], [0], [1], [0, 0, 1, 1], [], []>, transpose_lhs_hint = false} : vector<64x1024xbf16>, vector<1024x3072xbf16>, vector<64x3072xf32> -> vector<64x3072xf32>
    %slice3A_157 = vector.extract_strided_slice %slice3A_150 {offsets = [0, 0], sizes = [64, 1024], strides = [1, 1]} : vector<64x3072xf32> to vector<64x1024xf32>
    %slice3A_158 = vector.extract_strided_slice %dot_general3A_156 {offsets = [0, 0], sizes = [64, 1024], strides = [1, 1]} : vector<64x3072xf32> to vector<64x1024xf32>
    %add3A_159 = arith.addf %slice3A_157, %slice3A_158 : vector<64x1024xf32>
    %logistic3A_160 = arith.negf %add3A_159 : vector<64x1024xf32>
    %logistic3A_161 = math.exp %logistic3A_160 : vector<64x1024xf32>
    %logistic3A_162 = arith.constant 1.000000e+00 : f32
    %logistic3A_163 = vector.broadcast %logistic3A_162 : f32 to vector<64x1024xf32>
    %logistic3A_164 = arith.addf %logistic3A_163, %logistic3A_161 : vector<64x1024xf32>
    %logistic3A_165 = arith.divf %logistic3A_163, %logistic3A_164 : vector<64x1024xf32>
    %slice3A_166 = vector.extract_strided_slice %slice3A_150 {offsets = [0, 1024], sizes = [64, 1024], strides = [1, 1]} : vector<64x3072xf32> to vector<64x1024xf32>
    %slice3A_167 = vector.extract_strided_slice %dot_general3A_156 {offsets = [0, 1024], sizes = [64, 1024], strides = [1, 1]} : vector<64x3072xf32> to vector<64x1024xf32>
    %add3A_168 = arith.addf %slice3A_166, %slice3A_167 : vector<64x1024xf32>
    %logistic3A_169 = arith.negf %add3A_168 : vector<64x1024xf32>
    %logistic3A_170 = math.exp %logistic3A_169 : vector<64x1024xf32>
    %logistic3A_171 = arith.constant 1.000000e+00 : f32
    %logistic3A_172 = vector.broadcast %logistic3A_171 : f32 to vector<64x1024xf32>
    %logistic3A_173 = arith.addf %logistic3A_172, %logistic3A_170 : vector<64x1024xf32>
    %logistic3A_174 = arith.divf %logistic3A_172, %logistic3A_173 : vector<64x1024xf32>
    %slice3A_175 = vector.extract_strided_slice %slice3A_150 {offsets = [0, 2048], sizes = [64, 1024], strides = [1, 1]} : vector<64x3072xf32> to vector<64x1024xf32>
    %slice3A_176 = vector.extract_strided_slice %dot_general3A_156 {offsets = [0, 2048], sizes = [64, 1024], strides = [1, 1]} : vector<64x3072xf32> to vector<64x1024xf32>
    %broadcast_in_dim3A_177 = vector.shape_cast %slice3A_10 : vector<1024xf32> to vector<1x1024xf32>
    %add3A_178 = vector.broadcast %broadcast_in_dim3A_177 : vector<1x1024xf32> to vector<64x1024xf32>
    %add3A_179 = arith.addf %slice3A_176, %add3A_178 : vector<64x1024xf32>
    %mul3A_180 = arith.mulf %logistic3A_174, %add3A_179 : vector<64x1024xf32>
    %add3A_181 = arith.addf %slice3A_175, %mul3A_180 : vector<64x1024xf32>
    %tanh3A_182 = math.tanh %add3A_181 : vector<64x1024xf32>
    %mul3A_183 = arith.mulf %logistic3A_165, %add3A_145 : vector<64x1024xf32>
    %sub3A_184 = arith.constant 1.000000e+00 : f32
    %sub3A_185 = vector.broadcast %sub3A_184 : f32 to vector<64x1024xf32>
    %sub3A_186 = arith.subf %sub3A_185, %logistic3A_165 : vector<64x1024xf32>
    %mul3A_187 = arith.mulf %sub3A_186, %tanh3A_182 : vector<64x1024xf32>
    %add3A_188 = arith.addf %mul3A_183, %mul3A_187 : vector<64x1024xf32>
    %convert_element_type3A_189 = arith.truncf %add3A_188 : vector<64x1024xf32> to vector<64x1024xbf16>
    %swap3A_190 = arith.constant 192 : index
    %swap3A_191 = arith.constant 0 : index
    %swap3A_192 = vector.load %arg9[%swap3A_190, %swap3A_191] : memref<1024x1024xbf16, #tpu.memory_space<vmem>>, vector<64x1024xbf16>
    tpu.vector_store %arg9[%swap3A_190, %swap3A_191], %convert_element_type3A_189 {strides = array<i32>} : memref<1024x1024xbf16, #tpu.memory_space<vmem>>, vector<64x1024xbf16>,
    %slice3A_193 = vector.extract_strided_slice %add3A_22 {offsets = [256, 0], sizes = [64, 3072], strides = [1, 1]} : vector<1024x3072xf32> to vector<64x3072xf32>
    %convert_element_type3A_194 = arith.truncf %add3A_188 : vector<64x1024xf32> to vector<64x1024xbf16>
    %get3A_195 = arith.constant 0 : index
    %get3A_196 = arith.constant 0 : index
    %get3A_197 = vector.load %arg3[%get3A_195, %get3A_196] : memref<1024x3072xbf16, #tpu.memory_space<vmem>>, vector<1024x3072xbf16>
    %dot_general3A_198 = arith.constant dense<0.000000e+00> : vector<64x3072xf32>
    %dot_general3A_199 = tpu.matmul %convert_element_type3A_194, %get3A_197, %dot_general3A_198 {dimension_numbers = #tpu.dot_dimension_numbers<[1], [0], [0], [1], [0, 0, 1, 1], [], []>, transpose_lhs_hint = false} : vector<64x1024xbf16>, vector<1024x3072xbf16>, vector<64x3072xf32> -> vector<64x3072xf32>
    %slice3A_200 = vector.extract_strided_slice %slice3A_193 {offsets = [0, 0], sizes = [64, 1024], strides = [1, 1]} : vector<64x3072xf32> to vector<64x1024xf32>
    %slice3A_201 = vector.extract_strided_slice %dot_general3A_199 {offsets = [0, 0], sizes = [64, 1024], strides = [1, 1]} : vector<64x3072xf32> to vector<64x1024xf32>
    %add3A_202 = arith.addf %slice3A_200, %slice3A_201 : vector<64x1024xf32>
    %logistic3A_203 = arith.negf %add3A_202 : vector<64x1024xf32>
    %logistic3A_204 = math.exp %logistic3A_203 : vector<64x1024xf32>
    %logistic3A_205 = arith.constant 1.000000e+00 : f32
    %logistic3A_206 = vector.broadcast %logistic3A_205 : f32 to vector<64x1024xf32>
    %logistic3A_207 = arith.addf %logistic3A_206, %logistic3A_204 : vector<64x1024xf32>
    %logistic3A_208 = arith.divf %logistic3A_206, %logistic3A_207 : vector<64x1024xf32>
    %slice3A_209 = vector.extract_strided_slice %slice3A_193 {offsets = [0, 1024], sizes = [64, 1024], strides = [1, 1]} : vector<64x3072xf32> to vector<64x1024xf32>
    %slice3A_210 = vector.extract_strided_slice %dot_general3A_199 {offsets = [0, 1024], sizes = [64, 1024], strides = [1, 1]} : vector<64x3072xf32> to vector<64x1024xf32>
    %add3A_211 = arith.addf %slice3A_209, %slice3A_210 : vector<64x1024xf32>
    %logistic3A_212 = arith.negf %add3A_211 : vector<64x1024xf32>
    %logistic3A_213 = math.exp %logistic3A_212 : vector<64x1024xf32>
    %logistic3A_214 = arith.constant 1.000000e+00 : f32
    %logistic3A_215 = vector.broadcast %logistic3A_214 : f32 to vector<64x1024xf32>
    %logistic3A_216 = arith.addf %logistic3A_215, %logistic3A_213 : vector<64x1024xf32>
    %logistic3A_217 = arith.divf %logistic3A_215, %logistic3A_216 : vector<64x1024xf32>
    %slice3A_218 = vector.extract_strided_slice %slice3A_193 {offsets = [0, 2048], sizes = [64, 1024], strides = [1, 1]} : vector<64x3072xf32> to vector<64x1024xf32>
    %slice3A_219 = vector.extract_strided_slice %dot_general3A_199 {offsets = [0, 2048], sizes = [64, 1024], strides = [1, 1]} : vector<64x3072xf32> to vector<64x1024xf32>
    %broadcast_in_dim3A_220 = vector.shape_cast %slice3A_10 : vector<1024xf32> to vector<1x1024xf32>
    %add3A_221 = vector.broadcast %broadcast_in_dim3A_220 : vector<1x1024xf32> to vector<64x1024xf32>
    %add3A_222 = arith.addf %slice3A_219, %add3A_221 : vector<64x1024xf32>
    %mul3A_223 = arith.mulf %logistic3A_217, %add3A_222 : vector<64x1024xf32>
    %add3A_224 = arith.addf %slice3A_218, %mul3A_223 : vector<64x1024xf32>
    %tanh3A_225 = math.tanh %add3A_224 : vector<64x1024xf32>
    %mul3A_226 = arith.mulf %logistic3A_208, %add3A_188 : vector<64x1024xf32>
    %sub3A_227 = arith.constant 1.000000e+00 : f32
    %sub3A_228 = vector.broadcast %sub3A_227 : f32 to vector<64x1024xf32>
    %sub3A_229 = arith.subf %sub3A_228, %logistic3A_208 : vector<64x1024xf32>
    %mul3A_230 = arith.mulf %sub3A_229, %tanh3A_225 : vector<64x1024xf32>
    %add3A_231 = arith.addf %mul3A_226, %mul3A_230 : vector<64x1024xf32>
    %convert_element_type3A_232 = arith.truncf %add3A_231 : vector<64x1024xf32> to vector<64x1024xbf16>
    %swap3A_233 = arith.constant 256 : index
    %swap3A_234 = arith.constant 0 : index
    %swap3A_235 = vector.load %arg9[%swap3A_233, %swap3A_234] : memref<1024x1024xbf16, #tpu.memory_space<vmem>>, vector<64x1024xbf16>
    tpu.vector_store %arg9[%swap3A_233, %swap3A_234], %convert_element_type3A_232 {strides = array<i32>} : memref<1024x1024xbf16, #tpu.memory_space<vmem>>, vector<64x1024xbf16>,
    %slice3A_236 = vector.extract_strided_slice %add3A_22 {offsets = [320, 0], sizes = [64, 3072], strides = [1, 1]} : vector<1024x3072xf32> to vector<64x3072xf32>
    %convert_element_type3A_237 = arith.truncf %add3A_231 : vector<64x1024xf32> to vector<64x1024xbf16>
    %get3A_238 = arith.constant 0 : index
    %get3A_239 = arith.constant 0 : index
    %get3A_240 = vector.load %arg3[%get3A_238, %get3A_239] : memref<1024x3072xbf16, #tpu.memory_space<vmem>>, vector<1024x3072xbf16>
    %dot_general3A_241 = arith.constant dense<0.000000e+00> : vector<64x3072xf32>
    %dot_general3A_242 = tpu.matmul %convert_element_type3A_237, %get3A_240, %dot_general3A_241 {dimension_numbers = #tpu.dot_dimension_numbers<[1], [0], [0], [1], [0, 0, 1, 1], [], []>, transpose_lhs_hint = false} : vector<64x1024xbf16>, vector<1024x3072xbf16>, vector<64x3072xf32> -> vector<64x3072xf32>
    %slice3A_243 = vector.extract_strided_slice %slice3A_236 {offsets = [0, 0], sizes = [64, 1024], strides = [1, 1]} : vector<64x3072xf32> to vector<64x1024xf32>
    %slice3A_244 = vector.extract_strided_slice %dot_general3A_242 {offsets = [0, 0], sizes = [64, 1024], strides = [1, 1]} : vector<64x3072xf32> to vector<64x1024xf32>
    %add3A_245 = arith.addf %slice3A_243, %slice3A_244 : vector<64x1024xf32>
    %logistic3A_246 = arith.negf %add3A_245 : vector<64x1024xf32>
    %logistic3A_247 = math.exp %logistic3A_246 : vector<64x1024xf32>
    %logistic3A_248 = arith.constant 1.000000e+00 : f32
    %logistic3A_249 = vector.broadcast %logistic3A_248 : f32 to vector<64x1024xf32>
    %logistic3A_250 = arith.addf %logistic3A_249, %logistic3A_247 : vector<64x1024xf32>
    %logistic3A_251 = arith.divf %logistic3A_249, %logistic3A_250 : vector<64x1024xf32>
    %slice3A_252 = vector.extract_strided_slice %slice3A_236 {offsets = [0, 1024], sizes = [64, 1024], strides = [1, 1]} : vector<64x3072xf32> to vector<64x1024xf32>
    %slice3A_253 = vector.extract_strided_slice %dot_general3A_242 {offsets = [0, 1024], sizes = [64, 1024], strides = [1, 1]} : vector<64x3072xf32> to vector<64x1024xf32>
    %add3A_254 = arith.addf %slice3A_252, %slice3A_253 : vector<64x1024xf32>
    %logistic3A_255 = arith.negf %add3A_254 : vector<64x1024xf32>
    %logistic3A_256 = math.exp %logistic3A_255 : vector<64x1024xf32>
    %logistic3A_257 = arith.constant 1.000000e+00 : f32
    %logistic3A_258 = vector.broadcast %logistic3A_257 : f32 to vector<64x1024xf32>
    %logistic3A_259 = arith.addf %logistic3A_258, %logistic3A_256 : vector<64x1024xf32>
    %logistic3A_260 = arith.divf %logistic3A_258, %logistic3A_259 : vector<64x1024xf32>
    %slice3A_261 = vector.extract_strided_slice %slice3A_236 {offsets = [0, 2048], sizes = [64, 1024], strides = [1, 1]} : vector<64x3072xf32> to vector<64x1024xf32>
    %slice3A_262 = vector.extract_strided_slice %dot_general3A_242 {offsets = [0, 2048], sizes = [64, 1024], strides = [1, 1]} : vector<64x3072xf32> to vector<64x1024xf32>
    %broadcast_in_dim3A_263 = vector.shape_cast %slice3A_10 : vector<1024xf32> to vector<1x1024xf32>
    %add3A_264 = vector.broadcast %broadcast_in_dim3A_263 : vector<1x1024xf32> to vector<64x1024xf32>
    %add3A_265 = arith.addf %slice3A_262, %add3A_264 : vector<64x1024xf32>
    %mul3A_266 = arith.mulf %logistic3A_260, %add3A_265 : vector<64x1024xf32>
    %add3A_267 = arith.addf %slice3A_261, %mul3A_266 : vector<64x1024xf32>
    %tanh3A_268 = math.tanh %add3A_267 : vector<64x1024xf32>
    %mul3A_269 = arith.mulf %logistic3A_251, %add3A_231 : vector<64x1024xf32>
    %sub3A_270 = arith.constant 1.000000e+00 : f32
    %sub3A_271 = vector.broadcast %sub3A_270 : f32 to vector<64x1024xf32>
    %sub3A_272 = arith.subf %sub3A_271, %logistic3A_251 : vector<64x1024xf32>
    %mul3A_273 = arith.mulf %sub3A_272, %tanh3A_268 : vector<64x1024xf32>
    %add3A_274 = arith.addf %mul3A_269, %mul3A_273 : vector<64x1024xf32>
    %convert_element_type3A_275 = arith.truncf %add3A_274 : vector<64x1024xf32> to vector<64x1024xbf16>
    %swap3A_276 = arith.constant 320 : index
    %swap3A_277 = arith.constant 0 : index
    %swap3A_278 = vector.load %arg9[%swap3A_276, %swap3A_277] : memref<1024x1024xbf16, #tpu.memory_space<vmem>>, vector<64x1024xbf16>
    tpu.vector_store %arg9[%swap3A_276, %swap3A_277], %convert_element_type3A_275 {strides = array<i32>} : memref<1024x1024xbf16, #tpu.memory_space<vmem>>, vector<64x1024xbf16>,
    %slice3A_279 = vector.extract_strided_slice %add3A_22 {offsets = [384, 0], sizes = [64, 3072], strides = [1, 1]} : vector<1024x3072xf32> to vector<64x3072xf32>
    %convert_element_type3A_280 = arith.truncf %add3A_274 : vector<64x1024xf32> to vector<64x1024xbf16>
    %get3A_281 = arith.constant 0 : index
    %get3A_282 = arith.constant 0 : index
    %get3A_283 = vector.load %arg3[%get3A_281, %get3A_282] : memref<1024x3072xbf16, #tpu.memory_space<vmem>>, vector<1024x3072xbf16>
    %dot_general3A_284 = arith.constant dense<0.000000e+00> : vector<64x3072xf32>
    %dot_general3A_285 = tpu.matmul %convert_element_type3A_280, %get3A_283, %dot_general3A_284 {dimension_numbers = #tpu.dot_dimension_numbers<[1], [0], [0], [1], [0, 0, 1, 1], [], []>, transpose_lhs_hint = false} : vector<64x1024xbf16>, vector<1024x3072xbf16>, vector<64x3072xf32> -> vector<64x3072xf32>
    %slice3A_286 = vector.extract_strided_slice %slice3A_279 {offsets = [0, 0], sizes = [64, 1024], strides = [1, 1]} : vector<64x3072xf32> to vector<64x1024xf32>
    %slice3A_287 = vector.extract_strided_slice %dot_general3A_285 {offsets = [0, 0], sizes = [64, 1024], strides = [1, 1]} : vector<64x3072xf32> to vector<64x1024xf32>
    %add3A_288 = arith.addf %slice3A_286, %slice3A_287 : vector<64x1024xf32>
    %logistic3A_289 = arith.negf %add3A_288 : vector<64x1024xf32>
    %logistic3A_290 = math.exp %logistic3A_289 : vector<64x1024xf32>
    %logistic3A_291 = arith.constant 1.000000e+00 : f32
    %logistic3A_292 = vector.broadcast %logistic3A_291 : f32 to vector<64x1024xf32>
    %logistic3A_293 = arith.addf %logistic3A_292, %logistic3A_290 : vector<64x1024xf32>
    %logistic3A_294 = arith.divf %logistic3A_292, %logistic3A_293 : vector<64x1024xf32>
    %slice3A_295 = vector.extract_strided_slice %slice3A_279 {offsets = [0, 1024], sizes = [64, 1024], strides = [1, 1]} : vector<64x3072xf32> to vector<64x1024xf32>
    %slice3A_296 = vector.extract_strided_slice %dot_general3A_285 {offsets = [0, 1024], sizes = [64, 1024], strides = [1, 1]} : vector<64x3072xf32> to vector<64x1024xf32>
    %add3A_297 = arith.addf %slice3A_295, %slice3A_296 : vector<64x1024xf32>
    %logistic3A_298 = arith.negf %add3A_297 : vector<64x1024xf32>
    %logistic3A_299 = math.exp %logistic3A_298 : vector<64x1024xf32>
    %logistic3A_300 = arith.constant 1.000000e+00 : f32
    %logistic3A_301 = vector.broadcast %logistic3A_300 : f32 to vector<64x1024xf32>
    %logistic3A_302 = arith.addf %logistic3A_301, %logistic3A_299 : vector<64x1024xf32>
    %logistic3A_303 = arith.divf %logistic3A_301, %logistic3A_302 : vector<64x1024xf32>
    %slice3A_304 = vector.extract_strided_slice %slice3A_279 {offsets = [0, 2048], sizes = [64, 1024], strides = [1, 1]} : vector<64x3072xf32> to vector<64x1024xf32>
    %slice3A_305 = vector.extract_strided_slice %dot_general3A_285 {offsets = [0, 2048], sizes = [64, 1024], strides = [1, 1]} : vector<64x3072xf32> to vector<64x1024xf32>
    %broadcast_in_dim3A_306 = vector.shape_cast %slice3A_10 : vector<1024xf32> to vector<1x1024xf32>
    %add3A_307 = vector.broadcast %broadcast_in_dim3A_306 : vector<1x1024xf32> to vector<64x1024xf32>
    %add3A_308 = arith.addf %slice3A_305, %add3A_307 : vector<64x1024xf32>
    %mul3A_309 = arith.mulf %logistic3A_303, %add3A_308 : vector<64x1024xf32>
    %add3A_310 = arith.addf %slice3A_304, %mul3A_309 : vector<64x1024xf32>
    %tanh3A_311 = math.tanh %add3A_310 : vector<64x1024xf32>
    %mul3A_312 = arith.mulf %logistic3A_294, %add3A_274 : vector<64x1024xf32>
    %sub3A_313 = arith.constant 1.000000e+00 : f32
    %sub3A_314 = vector.broadcast %sub3A_313 : f32 to vector<64x1024xf32>
    %sub3A_315 = arith.subf %sub3A_314, %logistic3A_294 : vector<64x1024xf32>
    %mul3A_316 = arith.mulf %sub3A_315, %tanh3A_311 : vector<64x1024xf32>
    %add3A_317 = arith.addf %mul3A_312, %mul3A_316 : vector<64x1024xf32>
    %convert_element_type3A_318 = arith.truncf %add3A_317 : vector<64x1024xf32> to vector<64x1024xbf16>
    %swap3A_319 = arith.constant 384 : index
    %swap3A_320 = arith.constant 0 : index
    %swap3A_321 = vector.load %arg9[%swap3A_319, %swap3A_320] : memref<1024x1024xbf16, #tpu.memory_space<vmem>>, vector<64x1024xbf16>
    tpu.vector_store %arg9[%swap3A_319, %swap3A_320], %convert_element_type3A_318 {strides = array<i32>} : memref<1024x1024xbf16, #tpu.memory_space<vmem>>, vector<64x1024xbf16>,
    %slice3A_322 = vector.extract_strided_slice %add3A_22 {offsets = [448, 0], sizes = [64, 3072], strides = [1, 1]} : vector<1024x3072xf32> to vector<64x3072xf32>
    %convert_element_type3A_323 = arith.truncf %add3A_317 : vector<64x1024xf32> to vector<64x1024xbf16>
    %get3A_324 = arith.constant 0 : index
    %get3A_325 = arith.constant 0 : index
    %get3A_326 = vector.load %arg3[%get3A_324, %get3A_325] : memref<1024x3072xbf16, #tpu.memory_space<vmem>>, vector<1024x3072xbf16>
    %dot_general3A_327 = arith.constant dense<0.000000e+00> : vector<64x3072xf32>
    %dot_general3A_328 = tpu.matmul %convert_element_type3A_323, %get3A_326, %dot_general3A_327 {dimension_numbers = #tpu.dot_dimension_numbers<[1], [0], [0], [1], [0, 0, 1, 1], [], []>, transpose_lhs_hint = false} : vector<64x1024xbf16>, vector<1024x3072xbf16>, vector<64x3072xf32> -> vector<64x3072xf32>
    %slice3A_329 = vector.extract_strided_slice %slice3A_322 {offsets = [0, 0], sizes = [64, 1024], strides = [1, 1]} : vector<64x3072xf32> to vector<64x1024xf32>
    %slice3A_330 = vector.extract_strided_slice %dot_general3A_328 {offsets = [0, 0], sizes = [64, 1024], strides = [1, 1]} : vector<64x3072xf32> to vector<64x1024xf32>
    %add3A_331 = arith.addf %slice3A_329, %slice3A_330 : vector<64x1024xf32>
    %logistic3A_332 = arith.negf %add3A_331 : vector<64x1024xf32>
    %logistic3A_333 = math.exp %logistic3A_332 : vector<64x1024xf32>
    %logistic3A_334 = arith.constant 1.000000e+00 : f32
    %logistic3A_335 = vector.broadcast %logistic3A_334 : f32 to vector<64x1024xf32>
    %logistic3A_336 = arith.addf %logistic3A_335, %logistic3A_333 : vector<64x1024xf32>
    %logistic3A_337 = arith.divf %logistic3A_335, %logistic3A_336 : vector<64x1024xf32>
    %slice3A_338 = vector.extract_strided_slice %slice3A_322 {offsets = [0, 1024], sizes = [64, 1024], strides = [1, 1]} : vector<64x3072xf32> to vector<64x1024xf32>
    %slice3A_339 = vector.extract_strided_slice %dot_general3A_328 {offsets = [0, 1024], sizes = [64, 1024], strides = [1, 1]} : vector<64x3072xf32> to vector<64x1024xf32>
    %add3A_340 = arith.addf %slice3A_338, %slice3A_339 : vector<64x1024xf32>
    %logistic3A_341 = arith.negf %add3A_340 : vector<64x1024xf32>
    %logistic3A_342 = math.exp %logistic3A_341 : vector<64x1024xf32>
    %logistic3A_343 = arith.constant 1.000000e+00 : f32
    %logistic3A_344 = vector.broadcast %logistic3A_343 : f32 to vector<64x1024xf32>
    %logistic3A_345 = arith.addf %logistic3A_344, %logistic3A_342 : vector<64x1024xf32>
    %logistic3A_346 = arith.divf %logistic3A_344, %logistic3A_345 : vector<64x1024xf32>
    %slice3A_347 = vector.extract_strided_slice %slice3A_322 {offsets = [0, 2048], sizes = [64, 1024], strides = [1, 1]} : vector<64x3072xf32> to vector<64x1024xf32>
    %slice3A_348 = vector.extract_strided_slice %dot_general3A_328 {offsets = [0, 2048], sizes = [64, 1024], strides = [1, 1]} : vector<64x3072xf32> to vector<64x1024xf32>
    %broadcast_in_dim3A_349 = vector.shape_cast %slice3A_10 : vector<1024xf32> to vector<1x1024xf32>
    %add3A_350 = vector.broadcast %broadcast_in_dim3A_349 : vector<1x1024xf32> to vector<64x1024xf32>
    %add3A_351 = arith.addf %slice3A_348, %add3A_350 : vector<64x1024xf32>
    %mul3A_352 = arith.mulf %logistic3A_346, %add3A_351 : vector<64x1024xf32>
    %add3A_353 = arith.addf %slice3A_347, %mul3A_352 : vector<64x1024xf32>
    %tanh3A_354 = math.tanh %add3A_353 : vector<64x1024xf32>
    %mul3A_355 = arith.mulf %logistic3A_337, %add3A_317 : vector<64x1024xf32>
    %sub3A_356 = arith.constant 1.000000e+00 : f32
    %sub3A_357 = vector.broadcast %sub3A_356 : f32 to vector<64x1024xf32>
    %sub3A_358 = arith.subf %sub3A_357, %logistic3A_337 : vector<64x1024xf32>
    %mul3A_359 = arith.mulf %sub3A_358, %tanh3A_354 : vector<64x1024xf32>
    %add3A_360 = arith.addf %mul3A_355, %mul3A_359 : vector<64x1024xf32>
    %convert_element_type3A_361 = arith.truncf %add3A_360 : vector<64x1024xf32> to vector<64x1024xbf16>
    %swap3A_362 = arith.constant 448 : index
    %swap3A_363 = arith.constant 0 : index
    %swap3A_364 = vector.load %arg9[%swap3A_362, %swap3A_363] : memref<1024x1024xbf16, #tpu.memory_space<vmem>>, vector<64x1024xbf16>
    tpu.vector_store %arg9[%swap3A_362, %swap3A_363], %convert_element_type3A_361 {strides = array<i32>} : memref<1024x1024xbf16, #tpu.memory_space<vmem>>, vector<64x1024xbf16>,
    %slice3A_365 = vector.extract_strided_slice %add3A_22 {offsets = [512, 0], sizes = [64, 3072], strides = [1, 1]} : vector<1024x3072xf32> to vector<64x3072xf32>
    %convert_element_type3A_366 = arith.truncf %add3A_360 : vector<64x1024xf32> to vector<64x1024xbf16>
    %get3A_367 = arith.constant 0 : index
    %get3A_368 = arith.constant 0 : index
    %get3A_369 = vector.load %arg3[%get3A_367, %get3A_368] : memref<1024x3072xbf16, #tpu.memory_space<vmem>>, vector<1024x3072xbf16>
    %dot_general3A_370 = arith.constant dense<0.000000e+00> : vector<64x3072xf32>
    %dot_general3A_371 = tpu.matmul %convert_element_type3A_366, %get3A_369, %dot_general3A_370 {dimension_numbers = #tpu.dot_dimension_numbers<[1], [0], [0], [1], [0, 0, 1, 1], [], []>, transpose_lhs_hint = false} : vector<64x1024xbf16>, vector<1024x3072xbf16>, vector<64x3072xf32> -> vector<64x3072xf32>
    %slice3A_372 = vector.extract_strided_slice %slice3A_365 {offsets = [0, 0], sizes = [64, 1024], strides = [1, 1]} : vector<64x3072xf32> to vector<64x1024xf32>
    %slice3A_373 = vector.extract_strided_slice %dot_general3A_371 {offsets = [0, 0], sizes = [64, 1024], strides = [1, 1]} : vector<64x3072xf32> to vector<64x1024xf32>
    %add3A_374 = arith.addf %slice3A_372, %slice3A_373 : vector<64x1024xf32>
    %logistic3A_375 = arith.negf %add3A_374 : vector<64x1024xf32>
    %logistic3A_376 = math.exp %logistic3A_375 : vector<64x1024xf32>
    %logistic3A_377 = arith.constant 1.000000e+00 : f32
    %logistic3A_378 = vector.broadcast %logistic3A_377 : f32 to vector<64x1024xf32>
    %logistic3A_379 = arith.addf %logistic3A_378, %logistic3A_376 : vector<64x1024xf32>
    %logistic3A_380 = arith.divf %logistic3A_378, %logistic3A_379 : vector<64x1024xf32>
    %slice3A_381 = vector.extract_strided_slice %slice3A_365 {offsets = [0, 1024], sizes = [64, 1024], strides = [1, 1]} : vector<64x3072xf32> to vector<64x1024xf32>
    %slice3A_382 = vector.extract_strided_slice %dot_general3A_371 {offsets = [0, 1024], sizes = [64, 1024], strides = [1, 1]} : vector<64x3072xf32> to vector<64x1024xf32>
    %add3A_383 = arith.addf %slice3A_381, %slice3A_382 : vector<64x1024xf32>
    %logistic3A_384 = arith.negf %add3A_383 : vector<64x1024xf32>
    %logistic3A_385 = math.exp %logistic3A_384 : vector<64x1024xf32>
    %logistic3A_386 = arith.constant 1.000000e+00 : f32
    %logistic3A_387 = vector.broadcast %logistic3A_386 : f32 to vector<64x1024xf32>
    %logistic3A_388 = arith.addf %logistic3A_387, %logistic3A_385 : vector<64x1024xf32>
    %logistic3A_389 = arith.divf %logistic3A_387, %logistic3A_388 : vector<64x1024xf32>
    %slice3A_390 = vector.extract_strided_slice %slice3A_365 {offsets = [0, 2048], sizes = [64, 1024], strides = [1, 1]} : vector<64x3072xf32> to vector<64x1024xf32>
    %slice3A_391 = vector.extract_strided_slice %dot_general3A_371 {offsets = [0, 2048], sizes = [64, 1024], strides = [1, 1]} : vector<64x3072xf32> to vector<64x1024xf32>
    %broadcast_in_dim3A_392 = vector.shape_cast %slice3A_10 : vector<1024xf32> to vector<1x1024xf32>
    %add3A_393 = vector.broadcast %broadcast_in_dim3A_392 : vector<1x1024xf32> to vector<64x1024xf32>
    %add3A_394 = arith.addf %slice3A_391, %add3A_393 : vector<64x1024xf32>
    %mul3A_395 = arith.mulf %logistic3A_389, %add3A_394 : vector<64x1024xf32>
    %add3A_396 = arith.addf %slice3A_390, %mul3A_395 : vector<64x1024xf32>
    %tanh3A_397 = math.tanh %add3A_396 : vector<64x1024xf32>
    %mul3A_398 = arith.mulf %logistic3A_380, %add3A_360 : vector<64x1024xf32>
    %sub3A_399 = arith.constant 1.000000e+00 : f32
    %sub3A_400 = vector.broadcast %sub3A_399 : f32 to vector<64x1024xf32>
    %sub3A_401 = arith.subf %sub3A_400, %logistic3A_380 : vector<64x1024xf32>
    %mul3A_402 = arith.mulf %sub3A_401, %tanh3A_397 : vector<64x1024xf32>
    %add3A_403 = arith.addf %mul3A_398, %mul3A_402 : vector<64x1024xf32>
    %convert_element_type3A_404 = arith.truncf %add3A_403 : vector<64x1024xf32> to vector<64x1024xbf16>
    %swap3A_405 = arith.constant 512 : index
    %swap3A_406 = arith.constant 0 : index
    %swap3A_407 = vector.load %arg9[%swap3A_405, %swap3A_406] : memref<1024x1024xbf16, #tpu.memory_space<vmem>>, vector<64x1024xbf16>
    tpu.vector_store %arg9[%swap3A_405, %swap3A_406], %convert_element_type3A_404 {strides = array<i32>} : memref<1024x1024xbf16, #tpu.memory_space<vmem>>, vector<64x1024xbf16>,
    %slice3A_408 = vector.extract_strided_slice %add3A_22 {offsets = [576, 0], sizes = [64, 3072], strides = [1, 1]} : vector<1024x3072xf32> to vector<64x3072xf32>
    %convert_element_type3A_409 = arith.truncf %add3A_403 : vector<64x1024xf32> to vector<64x1024xbf16>
    %get3A_410 = arith.constant 0 : index
    %get3A_411 = arith.constant 0 : index
    %get3A_412 = vector.load %arg3[%get3A_410, %get3A_411] : memref<1024x3072xbf16, #tpu.memory_space<vmem>>, vector<1024x3072xbf16>
    %dot_general3A_413 = arith.constant dense<0.000000e+00> : vector<64x3072xf32>
    %dot_general3A_414 = tpu.matmul %convert_element_type3A_409, %get3A_412, %dot_general3A_413 {dimension_numbers = #tpu.dot_dimension_numbers<[1], [0], [0], [1], [0, 0, 1, 1], [], []>, transpose_lhs_hint = false} : vector<64x1024xbf16>, vector<1024x3072xbf16>, vector<64x3072xf32> -> vector<64x3072xf32>
    %slice3A_415 = vector.extract_strided_slice %slice3A_408 {offsets = [0, 0], sizes = [64, 1024], strides = [1, 1]} : vector<64x3072xf32> to vector<64x1024xf32>
    %slice3A_416 = vector.extract_strided_slice %dot_general3A_414 {offsets = [0, 0], sizes = [64, 1024], strides = [1, 1]} : vector<64x3072xf32> to vector<64x1024xf32>
    %add3A_417 = arith.addf %slice3A_415, %slice3A_416 : vector<64x1024xf32>
    %logistic3A_418 = arith.negf %add3A_417 : vector<64x1024xf32>
    %logistic3A_419 = math.exp %logistic3A_418 : vector<64x1024xf32>
    %logistic3A_420 = arith.constant 1.000000e+00 : f32
    %logistic3A_421 = vector.broadcast %logistic3A_420 : f32 to vector<64x1024xf32>
    %logistic3A_422 = arith.addf %logistic3A_421, %logistic3A_419 : vector<64x1024xf32>
    %logistic3A_423 = arith.divf %logistic3A_421, %logistic3A_422 : vector<64x1024xf32>
    %slice3A_424 = vector.extract_strided_slice %slice3A_408 {offsets = [0, 1024], sizes = [64, 1024], strides = [1, 1]} : vector<64x3072xf32> to vector<64x1024xf32>
    %slice3A_425 = vector.extract_strided_slice %dot_general3A_414 {offsets = [0, 1024], sizes = [64, 1024], strides = [1, 1]} : vector<64x3072xf32> to vector<64x1024xf32>
    %add3A_426 = arith.addf %slice3A_424, %slice3A_425 : vector<64x1024xf32>
    %logistic3A_427 = arith.negf %add3A_426 : vector<64x1024xf32>
    %logistic3A_428 = math.exp %logistic3A_427 : vector<64x1024xf32>
    %logistic3A_429 = arith.constant 1.000000e+00 : f32
    %logistic3A_430 = vector.broadcast %logistic3A_429 : f32 to vector<64x1024xf32>
    %logistic3A_431 = arith.addf %logistic3A_430, %logistic3A_428 : vector<64x1024xf32>
    %logistic3A_432 = arith.divf %logistic3A_430, %logistic3A_431 : vector<64x1024xf32>
    %slice3A_433 = vector.extract_strided_slice %slice3A_408 {offsets = [0, 2048], sizes = [64, 1024], strides = [1, 1]} : vector<64x3072xf32> to vector<64x1024xf32>
    %slice3A_434 = vector.extract_strided_slice %dot_general3A_414 {offsets = [0, 2048], sizes = [64, 1024], strides = [1, 1]} : vector<64x3072xf32> to vector<64x1024xf32>
    %broadcast_in_dim3A_435 = vector.shape_cast %slice3A_10 : vector<1024xf32> to vector<1x1024xf32>
    %add3A_436 = vector.broadcast %broadcast_in_dim3A_435 : vector<1x1024xf32> to vector<64x1024xf32>
    %add3A_437 = arith.addf %slice3A_434, %add3A_436 : vector<64x1024xf32>
    %mul3A_438 = arith.mulf %logistic3A_432, %add3A_437 : vector<64x1024xf32>
    %add3A_439 = arith.addf %slice3A_433, %mul3A_438 : vector<64x1024xf32>
    %tanh3A_440 = math.tanh %add3A_439 : vector<64x1024xf32>
    %mul3A_441 = arith.mulf %logistic3A_423, %add3A_403 : vector<64x1024xf32>
    %sub3A_442 = arith.constant 1.000000e+00 : f32
    %sub3A_443 = vector.broadcast %sub3A_442 : f32 to vector<64x1024xf32>
    %sub3A_444 = arith.subf %sub3A_443, %logistic3A_423 : vector<64x1024xf32>
    %mul3A_445 = arith.mulf %sub3A_444, %tanh3A_440 : vector<64x1024xf32>
    %add3A_446 = arith.addf %mul3A_441, %mul3A_445 : vector<64x1024xf32>
    %convert_element_type3A_447 = arith.truncf %add3A_446 : vector<64x1024xf32> to vector<64x1024xbf16>
    %swap3A_448 = arith.constant 576 : index
    %swap3A_449 = arith.constant 0 : index
    %swap3A_450 = vector.load %arg9[%swap3A_448, %swap3A_449] : memref<1024x1024xbf16, #tpu.memory_space<vmem>>, vector<64x1024xbf16>
    tpu.vector_store %arg9[%swap3A_448, %swap3A_449], %convert_element_type3A_447 {strides = array<i32>} : memref<1024x1024xbf16, #tpu.memory_space<vmem>>, vector<64x1024xbf16>,
    %slice3A_451 = vector.extract_strided_slice %add3A_22 {offsets = [640, 0], sizes = [64, 3072], strides = [1, 1]} : vector<1024x3072xf32> to vector<64x3072xf32>
    %convert_element_type3A_452 = arith.truncf %add3A_446 : vector<64x1024xf32> to vector<64x1024xbf16>
    %get3A_453 = arith.constant 0 : index
    %get3A_454 = arith.constant 0 : index
    %get3A_455 = vector.load %arg3[%get3A_453, %get3A_454] : memref<1024x3072xbf16, #tpu.memory_space<vmem>>, vector<1024x3072xbf16>
    %dot_general3A_456 = arith.constant dense<0.000000e+00> : vector<64x3072xf32>
    %dot_general3A_457 = tpu.matmul %convert_element_type3A_452, %get3A_455, %dot_general3A_456 {dimension_numbers = #tpu.dot_dimension_numbers<[1], [0], [0], [1], [0, 0, 1, 1], [], []>, transpose_lhs_hint = false} : vector<64x1024xbf16>, vector<1024x3072xbf16>, vector<64x3072xf32> -> vector<64x3072xf32>
    %slice3A_458 = vector.extract_strided_slice %slice3A_451 {offsets = [0, 0], sizes = [64, 1024], strides = [1, 1]} : vector<64x3072xf32> to vector<64x1024xf32>
    %slice3A_459 = vector.extract_strided_slice %dot_general3A_457 {offsets = [0, 0], sizes = [64, 1024], strides = [1, 1]} : vector<64x3072xf32> to vector<64x1024xf32>
    %add3A_460 = arith.addf %slice3A_458, %slice3A_459 : vector<64x1024xf32>
    %logistic3A_461 = arith.negf %add3A_460 : vector<64x1024xf32>
    %logistic3A_462 = math.exp %logistic3A_461 : vector<64x1024xf32>
    %logistic3A_463 = arith.constant 1.000000e+00 : f32
    %logistic3A_464 = vector.broadcast %logistic3A_463 : f32 to vector<64x1024xf32>
    %logistic3A_465 = arith.addf %logistic3A_464, %logistic3A_462 : vector<64x1024xf32>
    %logistic3A_466 = arith.divf %logistic3A_464, %logistic3A_465 : vector<64x1024xf32>
    %slice3A_467 = vector.extract_strided_slice %slice3A_451 {offsets = [0, 1024], sizes = [64, 1024], strides = [1, 1]} : vector<64x3072xf32> to vector<64x1024xf32>
    %slice3A_468 = vector.extract_strided_slice %dot_general3A_457 {offsets = [0, 1024], sizes = [64, 1024], strides = [1, 1]} : vector<64x3072xf32> to vector<64x1024xf32>
    %add3A_469 = arith.addf %slice3A_467, %slice3A_468 : vector<64x1024xf32>
    %logistic3A_470 = arith.negf %add3A_469 : vector<64x1024xf32>
    %logistic3A_471 = math.exp %logistic3A_470 : vector<64x1024xf32>
    %logistic3A_472 = arith.constant 1.000000e+00 : f32
    %logistic3A_473 = vector.broadcast %logistic3A_472 : f32 to vector<64x1024xf32>
    %logistic3A_474 = arith.addf %logistic3A_473, %logistic3A_471 : vector<64x1024xf32>
    %logistic3A_475 = arith.divf %logistic3A_473, %logistic3A_474 : vector<64x1024xf32>
    %slice3A_476 = vector.extract_strided_slice %slice3A_451 {offsets = [0, 2048], sizes = [64, 1024], strides = [1, 1]} : vector<64x3072xf32> to vector<64x1024xf32>
    %slice3A_477 = vector.extract_strided_slice %dot_general3A_457 {offsets = [0, 2048], sizes = [64, 1024], strides = [1, 1]} : vector<64x3072xf32> to vector<64x1024xf32>
    %broadcast_in_dim3A_478 = vector.shape_cast %slice3A_10 : vector<1024xf32> to vector<1x1024xf32>
    %add3A_479 = vector.broadcast %broadcast_in_dim3A_478 : vector<1x1024xf32> to vector<64x1024xf32>
    %add3A_480 = arith.addf %slice3A_477, %add3A_479 : vector<64x1024xf32>
    %mul3A_481 = arith.mulf %logistic3A_475, %add3A_480 : vector<64x1024xf32>
    %add3A_482 = arith.addf %slice3A_476, %mul3A_481 : vector<64x1024xf32>
    %tanh3A_483 = math.tanh %add3A_482 : vector<64x1024xf32>
    %mul3A_484 = arith.mulf %logistic3A_466, %add3A_446 : vector<64x1024xf32>
    %sub3A_485 = arith.constant 1.000000e+00 : f32
    %sub3A_486 = vector.broadcast %sub3A_485 : f32 to vector<64x1024xf32>
    %sub3A_487 = arith.subf %sub3A_486, %logistic3A_466 : vector<64x1024xf32>
    %mul3A_488 = arith.mulf %sub3A_487, %tanh3A_483 : vector<64x1024xf32>
    %add3A_489 = arith.addf %mul3A_484, %mul3A_488 : vector<64x1024xf32>
    %convert_element_type3A_490 = arith.truncf %add3A_489 : vector<64x1024xf32> to vector<64x1024xbf16>
    %swap3A_491 = arith.constant 640 : index
    %swap3A_492 = arith.constant 0 : index
    %swap3A_493 = vector.load %arg9[%swap3A_491, %swap3A_492] : memref<1024x1024xbf16, #tpu.memory_space<vmem>>, vector<64x1024xbf16>
    tpu.vector_store %arg9[%swap3A_491, %swap3A_492], %convert_element_type3A_490 {strides = array<i32>} : memref<1024x1024xbf16, #tpu.memory_space<vmem>>, vector<64x1024xbf16>,
    %slice3A_494 = vector.extract_strided_slice %add3A_22 {offsets = [704, 0], sizes = [64, 3072], strides = [1, 1]} : vector<1024x3072xf32> to vector<64x3072xf32>
    %convert_element_type3A_495 = arith.truncf %add3A_489 : vector<64x1024xf32> to vector<64x1024xbf16>
    %get3A_496 = arith.constant 0 : index
    %get3A_497 = arith.constant 0 : index
    %get3A_498 = vector.load %arg3[%get3A_496, %get3A_497] : memref<1024x3072xbf16, #tpu.memory_space<vmem>>, vector<1024x3072xbf16>
    %dot_general3A_499 = arith.constant dense<0.000000e+00> : vector<64x3072xf32>
    %dot_general3A_500 = tpu.matmul %convert_element_type3A_495, %get3A_498, %dot_general3A_499 {dimension_numbers = #tpu.dot_dimension_numbers<[1], [0], [0], [1], [0, 0, 1, 1], [], []>, transpose_lhs_hint = false} : vector<64x1024xbf16>, vector<1024x3072xbf16>, vector<64x3072xf32> -> vector<64x3072xf32>
    %slice3A_501 = vector.extract_strided_slice %slice3A_494 {offsets = [0, 0], sizes = [64, 1024], strides = [1, 1]} : vector<64x3072xf32> to vector<64x1024xf32>
    %slice3A_502 = vector.extract_strided_slice %dot_general3A_500 {offsets = [0, 0], sizes = [64, 1024], strides = [1, 1]} : vector<64x3072xf32> to vector<64x1024xf32>
    %add3A_503 = arith.addf %slice3A_501, %slice3A_502 : vector<64x1024xf32>
    %logistic3A_504 = arith.negf %add3A_503 : vector<64x1024xf32>
    %logistic3A_505 = math.exp %logistic3A_504 : vector<64x1024xf32>
    %logistic3A_506 = arith.constant 1.000000e+00 : f32
    %logistic3A_507 = vector.broadcast %logistic3A_506 : f32 to vector<64x1024xf32>
    %logistic3A_508 = arith.addf %logistic3A_507, %logistic3A_505 : vector<64x1024xf32>
    %logistic3A_509 = arith.divf %logistic3A_507, %logistic3A_508 : vector<64x1024xf32>
    %slice3A_510 = vector.extract_strided_slice %slice3A_494 {offsets = [0, 1024], sizes = [64, 1024], strides = [1, 1]} : vector<64x3072xf32> to vector<64x1024xf32>
    %slice3A_511 = vector.extract_strided_slice %dot_general3A_500 {offsets = [0, 1024], sizes = [64, 1024], strides = [1, 1]} : vector<64x3072xf32> to vector<64x1024xf32>
    %add3A_512 = arith.addf %slice3A_510, %slice3A_511 : vector<64x1024xf32>
    %logistic3A_513 = arith.negf %add3A_512 : vector<64x1024xf32>
    %logistic3A_514 = math.exp %logistic3A_513 : vector<64x1024xf32>
    %logistic3A_515 = arith.constant 1.000000e+00 : f32
    %logistic3A_516 = vector.broadcast %logistic3A_515 : f32 to vector<64x1024xf32>
    %logistic3A_517 = arith.addf %logistic3A_516, %logistic3A_514 : vector<64x1024xf32>
    %logistic3A_518 = arith.divf %logistic3A_516, %logistic3A_517 : vector<64x1024xf32>
    %slice3A_519 = vector.extract_strided_slice %slice3A_494 {offsets = [0, 2048], sizes = [64, 1024], strides = [1, 1]} : vector<64x3072xf32> to vector<64x1024xf32>
    %slice3A_520 = vector.extract_strided_slice %dot_general3A_500 {offsets = [0, 2048], sizes = [64, 1024], strides = [1, 1]} : vector<64x3072xf32> to vector<64x1024xf32>
    %broadcast_in_dim3A_521 = vector.shape_cast %slice3A_10 : vector<1024xf32> to vector<1x1024xf32>
    %add3A_522 = vector.broadcast %broadcast_in_dim3A_521 : vector<1x1024xf32> to vector<64x1024xf32>
    %add3A_523 = arith.addf %slice3A_520, %add3A_522 : vector<64x1024xf32>
    %mul3A_524 = arith.mulf %logistic3A_518, %add3A_523 : vector<64x1024xf32>
    %add3A_525 = arith.addf %slice3A_519, %mul3A_524 : vector<64x1024xf32>
    %tanh3A_526 = math.tanh %add3A_525 : vector<64x1024xf32>
    %mul3A_527 = arith.mulf %logistic3A_509, %add3A_489 : vector<64x1024xf32>
    %sub3A_528 = arith.constant 1.000000e+00 : f32
    %sub3A_529 = vector.broadcast %sub3A_528 : f32 to vector<64x1024xf32>
    %sub3A_530 = arith.subf %sub3A_529, %logistic3A_509 : vector<64x1024xf32>
    %mul3A_531 = arith.mulf %sub3A_530, %tanh3A_526 : vector<64x1024xf32>
    %add3A_532 = arith.addf %mul3A_527, %mul3A_531 : vector<64x1024xf32>
    %convert_element_type3A_533 = arith.truncf %add3A_532 : vector<64x1024xf32> to vector<64x1024xbf16>
    %swap3A_534 = arith.constant 704 : index
    %swap3A_535 = arith.constant 0 : index
    %swap3A_536 = vector.load %arg9[%swap3A_534, %swap3A_535] : memref<1024x1024xbf16, #tpu.memory_space<vmem>>, vector<64x1024xbf16>
    tpu.vector_store %arg9[%swap3A_534, %swap3A_535], %convert_element_type3A_533 {strides = array<i32>} : memref<1024x1024xbf16, #tpu.memory_space<vmem>>, vector<64x1024xbf16>,
    %slice3A_537 = vector.extract_strided_slice %add3A_22 {offsets = [768, 0], sizes = [64, 3072], strides = [1, 1]} : vector<1024x3072xf32> to vector<64x3072xf32>
    %convert_element_type3A_538 = arith.truncf %add3A_532 : vector<64x1024xf32> to vector<64x1024xbf16>
    %get3A_539 = arith.constant 0 : index
    %get3A_540 = arith.constant 0 : index
    %get3A_541 = vector.load %arg3[%get3A_539, %get3A_540] : memref<1024x3072xbf16, #tpu.memory_space<vmem>>, vector<1024x3072xbf16>
    %dot_general3A_542 = arith.constant dense<0.000000e+00> : vector<64x3072xf32>
    %dot_general3A_543 = tpu.matmul %convert_element_type3A_538, %get3A_541, %dot_general3A_542 {dimension_numbers = #tpu.dot_dimension_numbers<[1], [0], [0], [1], [0, 0, 1, 1], [], []>, transpose_lhs_hint = false} : vector<64x1024xbf16>, vector<1024x3072xbf16>, vector<64x3072xf32> -> vector<64x3072xf32>
    %slice3A_544 = vector.extract_strided_slice %slice3A_537 {offsets = [0, 0], sizes = [64, 1024], strides = [1, 1]} : vector<64x3072xf32> to vector<64x1024xf32>
    %slice3A_545 = vector.extract_strided_slice %dot_general3A_543 {offsets = [0, 0], sizes = [64, 1024], strides = [1, 1]} : vector<64x3072xf32> to vector<64x1024xf32>
    %add3A_546 = arith.addf %slice3A_544, %slice3A_545 : vector<64x1024xf32>
    %logistic3A_547 = arith.negf %add3A_546 : vector<64x1024xf32>
    %logistic3A_548 = math.exp %logistic3A_547 : vector<64x1024xf32>
    %logistic3A_549 = arith.constant 1.000000e+00 : f32
    %logistic3A_550 = vector.broadcast %logistic3A_549 : f32 to vector<64x1024xf32>
    %logistic3A_551 = arith.addf %logistic3A_550, %logistic3A_548 : vector<64x1024xf32>
    %logistic3A_552 = arith.divf %logistic3A_550, %logistic3A_551 : vector<64x1024xf32>
    %slice3A_553 = vector.extract_strided_slice %slice3A_537 {offsets = [0, 1024], sizes = [64, 1024], strides = [1, 1]} : vector<64x3072xf32> to vector<64x1024xf32>
    %slice3A_554 = vector.extract_strided_slice %dot_general3A_543 {offsets = [0, 1024], sizes = [64, 1024], strides = [1, 1]} : vector<64x3072xf32> to vector<64x1024xf32>
    %add3A_555 = arith.addf %slice3A_553, %slice3A_554 : vector<64x1024xf32>
    %logistic3A_556 = arith.negf %add3A_555 : vector<64x1024xf32>
    %logistic3A_557 = math.exp %logistic3A_556 : vector<64x1024xf32>
    %logistic3A_558 = arith.constant 1.000000e+00 : f32
    %logistic3A_559 = vector.broadcast %logistic3A_558 : f32 to vector<64x1024xf32>
    %logistic3A_560 = arith.addf %logistic3A_559, %logistic3A_557 : vector<64x1024xf32>
    %logistic3A_561 = arith.divf %logistic3A_559, %logistic3A_560 : vector<64x1024xf32>
    %slice3A_562 = vector.extract_strided_slice %slice3A_537 {offsets = [0, 2048], sizes = [64, 1024], strides = [1, 1]} : vector<64x3072xf32> to vector<64x1024xf32>
    %slice3A_563 = vector.extract_strided_slice %dot_general3A_543 {offsets = [0, 2048], sizes = [64, 1024], strides = [1, 1]} : vector<64x3072xf32> to vector<64x1024xf32>
    %broadcast_in_dim3A_564 = vector.shape_cast %slice3A_10 : vector<1024xf32> to vector<1x1024xf32>
    %add3A_565 = vector.broadcast %broadcast_in_dim3A_564 : vector<1x1024xf32> to vector<64x1024xf32>
    %add3A_566 = arith.addf %slice3A_563, %add3A_565 : vector<64x1024xf32>
    %mul3A_567 = arith.mulf %logistic3A_561, %add3A_566 : vector<64x1024xf32>
    %add3A_568 = arith.addf %slice3A_562, %mul3A_567 : vector<64x1024xf32>
    %tanh3A_569 = math.tanh %add3A_568 : vector<64x1024xf32>
    %mul3A_570 = arith.mulf %logistic3A_552, %add3A_532 : vector<64x1024xf32>
    %sub3A_571 = arith.constant 1.000000e+00 : f32
    %sub3A_572 = vector.broadcast %sub3A_571 : f32 to vector<64x1024xf32>
    %sub3A_573 = arith.subf %sub3A_572, %logistic3A_552 : vector<64x1024xf32>
    %mul3A_574 = arith.mulf %sub3A_573, %tanh3A_569 : vector<64x1024xf32>
    %add3A_575 = arith.addf %mul3A_570, %mul3A_574 : vector<64x1024xf32>
    %convert_element_type3A_576 = arith.truncf %add3A_575 : vector<64x1024xf32> to vector<64x1024xbf16>
    %swap3A_577 = arith.constant 768 : index
    %swap3A_578 = arith.constant 0 : index
    %swap3A_579 = vector.load %arg9[%swap3A_577, %swap3A_578] : memref<1024x1024xbf16, #tpu.memory_space<vmem>>, vector<64x1024xbf16>
    tpu.vector_store %arg9[%swap3A_577, %swap3A_578], %convert_element_type3A_576 {strides = array<i32>} : memref<1024x1024xbf16, #tpu.memory_space<vmem>>, vector<64x1024xbf16>,
    %slice3A_580 = vector.extract_strided_slice %add3A_22 {offsets = [832, 0], sizes = [64, 3072], strides = [1, 1]} : vector<1024x3072xf32> to vector<64x3072xf32>
    %convert_element_type3A_581 = arith.truncf %add3A_575 : vector<64x1024xf32> to vector<64x1024xbf16>
    %get3A_582 = arith.constant 0 : index
    %get3A_583 = arith.constant 0 : index
    %get3A_584 = vector.load %arg3[%get3A_582, %get3A_583] : memref<1024x3072xbf16, #tpu.memory_space<vmem>>, vector<1024x3072xbf16>
    %dot_general3A_585 = arith.constant dense<0.000000e+00> : vector<64x3072xf32>
    %dot_general3A_586 = tpu.matmul %convert_element_type3A_581, %get3A_584, %dot_general3A_585 {dimension_numbers = #tpu.dot_dimension_numbers<[1], [0], [0], [1], [0, 0, 1, 1], [], []>, transpose_lhs_hint = false} : vector<64x1024xbf16>, vector<1024x3072xbf16>, vector<64x3072xf32> -> vector<64x3072xf32>
    %slice3A_587 = vector.extract_strided_slice %slice3A_580 {offsets = [0, 0], sizes = [64, 1024], strides = [1, 1]} : vector<64x3072xf32> to vector<64x1024xf32>
    %slice3A_588 = vector.extract_strided_slice %dot_general3A_586 {offsets = [0, 0], sizes = [64, 1024], strides = [1, 1]} : vector<64x3072xf32> to vector<64x1024xf32>
    %add3A_589 = arith.addf %slice3A_587, %slice3A_588 : vector<64x1024xf32>
    %logistic3A_590 = arith.negf %add3A_589 : vector<64x1024xf32>
    %logistic3A_591 = math.exp %logistic3A_590 : vector<64x1024xf32>
    %logistic3A_592 = arith.constant 1.000000e+00 : f32
    %logistic3A_593 = vector.broadcast %logistic3A_592 : f32 to vector<64x1024xf32>
    %logistic3A_594 = arith.addf %logistic3A_593, %logistic3A_591 : vector<64x1024xf32>
    %logistic3A_595 = arith.divf %logistic3A_593, %logistic3A_594 : vector<64x1024xf32>
    %slice3A_596 = vector.extract_strided_slice %slice3A_580 {offsets = [0, 1024], sizes = [64, 1024], strides = [1, 1]} : vector<64x3072xf32> to vector<64x1024xf32>
    %slice3A_597 = vector.extract_strided_slice %dot_general3A_586 {offsets = [0, 1024], sizes = [64, 1024], strides = [1, 1]} : vector<64x3072xf32> to vector<64x1024xf32>
    %add3A_598 = arith.addf %slice3A_596, %slice3A_597 : vector<64x1024xf32>
    %logistic3A_599 = arith.negf %add3A_598 : vector<64x1024xf32>
    %logistic3A_600 = math.exp %logistic3A_599 : vector<64x1024xf32>
    %logistic3A_601 = arith.constant 1.000000e+00 : f32
    %logistic3A_602 = vector.broadcast %logistic3A_601 : f32 to vector<64x1024xf32>
    %logistic3A_603 = arith.addf %logistic3A_602, %logistic3A_600 : vector<64x1024xf32>
    %logistic3A_604 = arith.divf %logistic3A_602, %logistic3A_603 : vector<64x1024xf32>
    %slice3A_605 = vector.extract_strided_slice %slice3A_580 {offsets = [0, 2048], sizes = [64, 1024], strides = [1, 1]} : vector<64x3072xf32> to vector<64x1024xf32>
    %slice3A_606 = vector.extract_strided_slice %dot_general3A_586 {offsets = [0, 2048], sizes = [64, 1024], strides = [1, 1]} : vector<64x3072xf32> to vector<64x1024xf32>
    %broadcast_in_dim3A_607 = vector.shape_cast %slice3A_10 : vector<1024xf32> to vector<1x1024xf32>
    %add3A_608 = vector.broadcast %broadcast_in_dim3A_607 : vector<1x1024xf32> to vector<64x1024xf32>
    %add3A_609 = arith.addf %slice3A_606, %add3A_608 : vector<64x1024xf32>
    %mul3A_610 = arith.mulf %logistic3A_604, %add3A_609 : vector<64x1024xf32>
    %add3A_611 = arith.addf %slice3A_605, %mul3A_610 : vector<64x1024xf32>
    %tanh3A_612 = math.tanh %add3A_611 : vector<64x1024xf32>
    %mul3A_613 = arith.mulf %logistic3A_595, %add3A_575 : vector<64x1024xf32>
    %sub3A_614 = arith.constant 1.000000e+00 : f32
    %sub3A_615 = vector.broadcast %sub3A_614 : f32 to vector<64x1024xf32>
    %sub3A_616 = arith.subf %sub3A_615, %logistic3A_595 : vector<64x1024xf32>
    %mul3A_617 = arith.mulf %sub3A_616, %tanh3A_612 : vector<64x1024xf32>
    %add3A_618 = arith.addf %mul3A_613, %mul3A_617 : vector<64x1024xf32>
    %convert_element_type3A_619 = arith.truncf %add3A_618 : vector<64x1024xf32> to vector<64x1024xbf16>
    %swap3A_620 = arith.constant 832 : index
    %swap3A_621 = arith.constant 0 : index
    %swap3A_622 = vector.load %arg9[%swap3A_620, %swap3A_621] : memref<1024x1024xbf16, #tpu.memory_space<vmem>>, vector<64x1024xbf16>
    tpu.vector_store %arg9[%swap3A_620, %swap3A_621], %convert_element_type3A_619 {strides = array<i32>} : memref<1024x1024xbf16, #tpu.memory_space<vmem>>, vector<64x1024xbf16>,
    %slice3A_623 = vector.extract_strided_slice %add3A_22 {offsets = [896, 0], sizes = [64, 3072], strides = [1, 1]} : vector<1024x3072xf32> to vector<64x3072xf32>
    %convert_element_type3A_624 = arith.truncf %add3A_618 : vector<64x1024xf32> to vector<64x1024xbf16>
    %get3A_625 = arith.constant 0 : index
    %get3A_626 = arith.constant 0 : index
    %get3A_627 = vector.load %arg3[%get3A_625, %get3A_626] : memref<1024x3072xbf16, #tpu.memory_space<vmem>>, vector<1024x3072xbf16>
    %dot_general3A_628 = arith.constant dense<0.000000e+00> : vector<64x3072xf32>
    %dot_general3A_629 = tpu.matmul %convert_element_type3A_624, %get3A_627, %dot_general3A_628 {dimension_numbers = #tpu.dot_dimension_numbers<[1], [0], [0], [1], [0, 0, 1, 1], [], []>, transpose_lhs_hint = false} : vector<64x1024xbf16>, vector<1024x3072xbf16>, vector<64x3072xf32> -> vector<64x3072xf32>
    %slice3A_630 = vector.extract_strided_slice %slice3A_623 {offsets = [0, 0], sizes = [64, 1024], strides = [1, 1]} : vector<64x3072xf32> to vector<64x1024xf32>
    %slice3A_631 = vector.extract_strided_slice %dot_general3A_629 {offsets = [0, 0], sizes = [64, 1024], strides = [1, 1]} : vector<64x3072xf32> to vector<64x1024xf32>
    %add3A_632 = arith.addf %slice3A_630, %slice3A_631 : vector<64x1024xf32>
    %logistic3A_633 = arith.negf %add3A_632 : vector<64x1024xf32>
    %logistic3A_634 = math.exp %logistic3A_633 : vector<64x1024xf32>
    %logistic3A_635 = arith.constant 1.000000e+00 : f32
    %logistic3A_636 = vector.broadcast %logistic3A_635 : f32 to vector<64x1024xf32>
    %logistic3A_637 = arith.addf %logistic3A_636, %logistic3A_634 : vector<64x1024xf32>
    %logistic3A_638 = arith.divf %logistic3A_636, %logistic3A_637 : vector<64x1024xf32>
    %slice3A_639 = vector.extract_strided_slice %slice3A_623 {offsets = [0, 1024], sizes = [64, 1024], strides = [1, 1]} : vector<64x3072xf32> to vector<64x1024xf32>
    %slice3A_640 = vector.extract_strided_slice %dot_general3A_629 {offsets = [0, 1024], sizes = [64, 1024], strides = [1, 1]} : vector<64x3072xf32> to vector<64x1024xf32>
    %add3A_641 = arith.addf %slice3A_639, %slice3A_640 : vector<64x1024xf32>
    %logistic3A_642 = arith.negf %add3A_641 : vector<64x1024xf32>
    %logistic3A_643 = math.exp %logistic3A_642 : vector<64x1024xf32>
    %logistic3A_644 = arith.constant 1.000000e+00 : f32
    %logistic3A_645 = vector.broadcast %logistic3A_644 : f32 to vector<64x1024xf32>
    %logistic3A_646 = arith.addf %logistic3A_645, %logistic3A_643 : vector<64x1024xf32>
    %logistic3A_647 = arith.divf %logistic3A_645, %logistic3A_646 : vector<64x1024xf32>
    %slice3A_648 = vector.extract_strided_slice %slice3A_623 {offsets = [0, 2048], sizes = [64, 1024], strides = [1, 1]} : vector<64x3072xf32> to vector<64x1024xf32>
    %slice3A_649 = vector.extract_strided_slice %dot_general3A_629 {offsets = [0, 2048], sizes = [64, 1024], strides = [1, 1]} : vector<64x3072xf32> to vector<64x1024xf32>
    %broadcast_in_dim3A_650 = vector.shape_cast %slice3A_10 : vector<1024xf32> to vector<1x1024xf32>
    %add3A_651 = vector.broadcast %broadcast_in_dim3A_650 : vector<1x1024xf32> to vector<64x1024xf32>
    %add3A_652 = arith.addf %slice3A_649, %add3A_651 : vector<64x1024xf32>
    %mul3A_653 = arith.mulf %logistic3A_647, %add3A_652 : vector<64x1024xf32>
    %add3A_654 = arith.addf %slice3A_648, %mul3A_653 : vector<64x1024xf32>
    %tanh3A_655 = math.tanh %add3A_654 : vector<64x1024xf32>
    %mul3A_656 = arith.mulf %logistic3A_638, %add3A_618 : vector<64x1024xf32>
    %sub3A_657 = arith.constant 1.000000e+00 : f32
    %sub3A_658 = vector.broadcast %sub3A_657 : f32 to vector<64x1024xf32>
    %sub3A_659 = arith.subf %sub3A_658, %logistic3A_638 : vector<64x1024xf32>
    %mul3A_660 = arith.mulf %sub3A_659, %tanh3A_655 : vector<64x1024xf32>
    %add3A_661 = arith.addf %mul3A_656, %mul3A_660 : vector<64x1024xf32>
    %convert_element_type3A_662 = arith.truncf %add3A_661 : vector<64x1024xf32> to vector<64x1024xbf16>
    %swap3A_663 = arith.constant 896 : index
    %swap3A_664 = arith.constant 0 : index
    %swap3A_665 = vector.load %arg9[%swap3A_663, %swap3A_664] : memref<1024x1024xbf16, #tpu.memory_space<vmem>>, vector<64x1024xbf16>
    tpu.vector_store %arg9[%swap3A_663, %swap3A_664], %convert_element_type3A_662 {strides = array<i32>} : memref<1024x1024xbf16, #tpu.memory_space<vmem>>, vector<64x1024xbf16>,
    %slice3A_666 = vector.extract_strided_slice %add3A_22 {offsets = [960, 0], sizes = [64, 3072], strides = [1, 1]} : vector<1024x3072xf32> to vector<64x3072xf32>
    %convert_element_type3A_667 = arith.truncf %add3A_661 : vector<64x1024xf32> to vector<64x1024xbf16>
    %get3A_668 = arith.constant 0 : index
    %get3A_669 = arith.constant 0 : index
    %get3A_670 = vector.load %arg3[%get3A_668, %get3A_669] : memref<1024x3072xbf16, #tpu.memory_space<vmem>>, vector<1024x3072xbf16>
    %dot_general3A_671 = arith.constant dense<0.000000e+00> : vector<64x3072xf32>
    %dot_general3A_672 = tpu.matmul %convert_element_type3A_667, %get3A_670, %dot_general3A_671 {dimension_numbers = #tpu.dot_dimension_numbers<[1], [0], [0], [1], [0, 0, 1, 1], [], []>, transpose_lhs_hint = false} : vector<64x1024xbf16>, vector<1024x3072xbf16>, vector<64x3072xf32> -> vector<64x3072xf32>
    %slice3A_673 = vector.extract_strided_slice %slice3A_666 {offsets = [0, 0], sizes = [64, 1024], strides = [1, 1]} : vector<64x3072xf32> to vector<64x1024xf32>
    %slice3A_674 = vector.extract_strided_slice %dot_general3A_672 {offsets = [0, 0], sizes = [64, 1024], strides = [1, 1]} : vector<64x3072xf32> to vector<64x1024xf32>
    %add3A_675 = arith.addf %slice3A_673, %slice3A_674 : vector<64x1024xf32>
    %logistic3A_676 = arith.negf %add3A_675 : vector<64x1024xf32>
    %logistic3A_677 = math.exp %logistic3A_676 : vector<64x1024xf32>
    %logistic3A_678 = arith.constant 1.000000e+00 : f32
    %logistic3A_679 = vector.broadcast %logistic3A_678 : f32 to vector<64x1024xf32>
    %logistic3A_680 = arith.addf %logistic3A_679, %logistic3A_677 : vector<64x1024xf32>
    %logistic3A_681 = arith.divf %logistic3A_679, %logistic3A_680 : vector<64x1024xf32>
    %slice3A_682 = vector.extract_strided_slice %slice3A_666 {offsets = [0, 1024], sizes = [64, 1024], strides = [1, 1]} : vector<64x3072xf32> to vector<64x1024xf32>
    %slice3A_683 = vector.extract_strided_slice %dot_general3A_672 {offsets = [0, 1024], sizes = [64, 1024], strides = [1, 1]} : vector<64x3072xf32> to vector<64x1024xf32>
    %add3A_684 = arith.addf %slice3A_682, %slice3A_683 : vector<64x1024xf32>
    %logistic3A_685 = arith.negf %add3A_684 : vector<64x1024xf32>
    %logistic3A_686 = math.exp %logistic3A_685 : vector<64x1024xf32>
    %logistic3A_687 = arith.constant 1.000000e+00 : f32
    %logistic3A_688 = vector.broadcast %logistic3A_687 : f32 to vector<64x1024xf32>
    %logistic3A_689 = arith.addf %logistic3A_688, %logistic3A_686 : vector<64x1024xf32>
    %logistic3A_690 = arith.divf %logistic3A_688, %logistic3A_689 : vector<64x1024xf32>
    %slice3A_691 = vector.extract_strided_slice %slice3A_666 {offsets = [0, 2048], sizes = [64, 1024], strides = [1, 1]} : vector<64x3072xf32> to vector<64x1024xf32>
    %slice3A_692 = vector.extract_strided_slice %dot_general3A_672 {offsets = [0, 2048], sizes = [64, 1024], strides = [1, 1]} : vector<64x3072xf32> to vector<64x1024xf32>
    %broadcast_in_dim3A_693 = vector.shape_cast %slice3A_10 : vector<1024xf32> to vector<1x1024xf32>
    %add3A_694 = vector.broadcast %broadcast_in_dim3A_693 : vector<1x1024xf32> to vector<64x1024xf32>
    %add3A_695 = arith.addf %slice3A_692, %add3A_694 : vector<64x1024xf32>
    %mul3A_696 = arith.mulf %logistic3A_690, %add3A_695 : vector<64x1024xf32>
    %add3A_697 = arith.addf %slice3A_691, %mul3A_696 : vector<64x1024xf32>
    %tanh3A_698 = math.tanh %add3A_697 : vector<64x1024xf32>
    %mul3A_699 = arith.mulf %logistic3A_681, %add3A_661 : vector<64x1024xf32>
    %sub3A_700 = arith.constant 1.000000e+00 : f32
    %sub3A_701 = vector.broadcast %sub3A_700 : f32 to vector<64x1024xf32>
    %sub3A_702 = arith.subf %sub3A_701, %logistic3A_681 : vector<64x1024xf32>
    %mul3A_703 = arith.mulf %sub3A_702, %tanh3A_698 : vector<64x1024xf32>
    %add3A_704 = arith.addf %mul3A_699, %mul3A_703 : vector<64x1024xf32>
    %convert_element_type3A_705 = arith.truncf %add3A_704 : vector<64x1024xf32> to vector<64x1024xbf16>
    %swap3A_706 = arith.constant 960 : index
    %swap3A_707 = arith.constant 0 : index
    %swap3A_708 = vector.load %arg9[%swap3A_706, %swap3A_707] : memref<1024x1024xbf16, #tpu.memory_space<vmem>>, vector<64x1024xbf16>
    tpu.vector_store %arg9[%swap3A_706, %swap3A_707], %convert_element_type3A_705 {strides = array<i32>} : memref<1024x1024xbf16, #tpu.memory_space<vmem>>, vector<64x1024xbf16>,
    %swap3A_709 = arith.constant 0 : index
    %swap3A_710 = arith.constant 0 : index
    %swap3A_711 = vector.load %arg8[%swap3A_709, %swap3A_710] : memref<64x1024xf32, #tpu.memory_space<vmem>>, vector<64x1024xf32>
    tpu.vector_store %arg8[%swap3A_709, %swap3A_710], %add3A_704 {strides = array<i32>} : memref<64x1024xf32, #tpu.memory_space<vmem>>, vector<64x1024xf32>,
    %get3A_712 = arith.constant 0 : index
    %get3A_713 = arith.constant 0 : index
    %get3A_714 = vector.load %arg9[%get3A_712, %get3A_713] : memref<1024x1024xbf16, #tpu.memory_space<vmem>>, vector<1024x1024xbf16>
    %get3A_715 = arith.constant 0 : index
    %get3A_716 = arith.constant 0 : index
    %get3A_717 = vector.load %arg5[%get3A_715, %get3A_716] : memref<1024x1000xbf16, #tpu.memory_space<vmem>>, vector<1024x1000xbf16>
    %dot_general3A_718 = arith.constant dense<0.000000e+00> : vector<1024x1000xf32>
    %dot_general3A_719 = tpu.matmul %get3A_714, %get3A_717, %dot_general3A_718 {dimension_numbers = #tpu.dot_dimension_numbers<[1], [0], [0], [1], [0, 0, 1, 1], [], []>, transpose_lhs_hint = false} : vector<1024x1024xbf16>, vector<1024x1000xbf16>, vector<1024x1000xf32> -> vector<1024x1000xf32>
    %get3A_720 = arith.constant 0 : index
    %get3A_721 = arith.constant 0 : index
    %get3A_722 = vector.load %arg6[%get3A_720, %get3A_721] : memref<1x1000xf32, #tpu.memory_space<vmem>>, vector<1x1000xf32>
    %add3A_723 = vector.broadcast %get3A_722 : vector<1x1000xf32> to vector<1024x1000xf32>
    %add3A_724 = arith.addf %dot_general3A_719, %add3A_723 : vector<1024x1000xf32>
    %reshape3A_725 = vector.shape_cast %add3A_724 : vector<1024x1000xf32> to vector<16x64x1000xf32>
    %swap3A_726 = arith.constant 0 : index
    %swap3A_727 = arith.constant 0 : index
    %swap3A_728 = arith.constant 0 : index
    %swap3A_729 = vector.load %arg7[%swap3A_726, %swap3A_727, %swap3A_728] : memref<16x64x1000xf32, #tpu.memory_space<vmem>>, vector<16x64x1000xf32>
    tpu.vector_store %arg7[%swap3A_726, %swap3A_727, %swap3A_728], %reshape3A_725 {strides = array<i32>} : memref<16x64x1000xf32, #tpu.memory_space<vmem>>, vector<16x64x1000xf32>,
    return
  }
  func.func @transform_0(%arg0: i32) -> (i32, i32, i32) {
    %c0_i32 = arith.constant 0 : i32
    %c0_i32_0 = arith.constant 0 : i32
    %c0_i32_1 = arith.constant 0 : i32
    return %arg0, %c0_i32, %c0_i32_0 : i32, i32, i32
  }
  func.func @transform_1(%arg0: i32) -> (i32, i32) {
    %c0_i32 = arith.constant 0 : i32
    %c0_i32_0 = arith.constant 0 : i32
    %c0_i32_1 = arith.constant 0 : i32
    return %c0_i32, %c0_i32_0 : i32, i32
  }
  func.func @transform_2(%arg0: i32) -> (i32, i32) {
    %c0_i32 = arith.constant 0 : i32
    %c0_i32_0 = arith.constant 0 : i32
    %c0_i32_1 = arith.constant 0 : i32
    return %c0_i32, %c0_i32_0 : i32, i32
  }
  func.func @transform_3(%arg0: i32) -> (i32, i32) {
    %c0_i32 = arith.constant 0 : i32
    %c0_i32_0 = arith.constant 0 : i32
    %c0_i32_1 = arith.constant 0 : i32
    return %c0_i32, %c0_i32_0 : i32, i32
  }
  func.func @transform_4(%arg0: i32) -> (i32, i32) {
    %c0_i32 = arith.constant 0 : i32
    %c0_i32_0 = arith.constant 0 : i32
    %c0_i32_1 = arith.constant 0 : i32
    return %c0_i32, %c0_i32_0 : i32, i32
  }
  func.func @transform_5(%arg0: i32) -> (i32, i32) {
    %c0_i32 = arith.constant 0 : i32
    %c0_i32_0 = arith.constant 0 : i32
    %c0_i32_1 = arith.constant 0 : i32
    return %c0_i32, %c0_i32_0 : i32, i32
  }
  func.func @transform_6(%arg0: i32) -> (i32, i32, i32) {
    %c0_i32 = arith.constant 0 : i32
    %c0_i32_0 = arith.constant 0 : i32
    %c0_i32_1 = arith.constant 0 : i32
    return %arg0, %c0_i32, %c0_i32_0 : i32, i32, i32
  }
}

</mosaic_0001>

<sc_bundles>
// kernel: kernel.5.cloned.1.call-start
scs
__scs_entry_jumppad:
0x0: {  	(pc) =	sbr.rel $0x88, $3  }
0x1: {  	(tag) =	ssettag $0x0;
	lr =	simm.s32 $0x1  }
0x2: {  	[smem:$0x3F9A] =	sst lr;
	_ =	strace $0xD0000000  }
0x3: {  	_ = 	snop  }
0x4: {  	_ = 	snop  }
0x5: {  	_ = 	snop  }
0x6: {  	_ = 	snop  }
0x7: {  	_ = 	snop  }
__scs_overlays_trampoline_lowered:
0x8: {  	[smem:$0x3FA9] =	sst s0  }
0x9: {  	[smem:$0x3FAA] =	sst s1  }
0xa: {  	[smem:$0x3FAB] =	sst s2  }
0xb: {  	[smem:$0x3FAC] =	sst s3  }
0xc: {  	[smem:$0x3FAD] =	sst s4  }
0xd: {  	[smem:$0x3FAE] =	sst s5  }
0xe: {  	[smem:$0x3FAF] =	sst s6  }
0xf: {  	[smem:$0x3FB0] =	sst s7  }
0x10: {  	[smem:$0x3FB1] =	sst s8  }
0x11: {  	[smem:$0x3FB2] =	sst s9;
	s0 =	simm.s32 @!p0 $0x0  }
0x12: {  	s1 =	sld [smem:$0x3F98];
	s0 =	simm.s32 @p0 $0x1  }
0x13: {  	[smem:$0x3FB3] =	sst s0;
	s0 =	simm.s32 @!p1 $0x0  }
0x14: {  	s2 =	sld [smem:$0x3F97];
	s0 =	simm.s32 @p1 $0x1  }
0x15: {  	[smem:$0x3FB4] =	sst s0;
	s0 =	simm.s32 @!p2 $0x0  }
0x16: {  	s3 =	sld [smem:$0x3FDB];
	s0 =	simm.s32 @p2 $0x1  }
0x17: {  	s4 =	simm.s32 $0x1BF5;
	[smem:$0x3FB6] =	sst s0  }
0x18: {  	s0 =	sld [smem:$0x3F99];
	_ =	swait.ge [sflag:s4], $0x0  }
0x19: {  	s7 =	sld [smem:$0x3F9A]  }
0x1a: {  	s8 =	sadd.s32 $0xFFFFE003, lr  }
0x1b: {  	s9 =	sadd.s32 $0xFFFFFEF7, lr;
	s5 =	simm.s32 $0xFFFFFFFF;
	p2 =	slt.u32 s8, $0xFFFFF086  }
0x1c: {  	p1 =	slt.u32 s9, $0xF7A;
	s5 =	simm.s32 @!p2 $0x0  }
0x1d: {  	s5 =	simm.s32 @p1 $0x1;
	p0 =	seq.s32 s7, s2  }
0x1e: {  	s7 =	smul.u32 @!p0 $0xF7A, s2;
	p2 =	seq.s32 @!p0 s5, $0x0  }
0x1f: {  	s9 =	smul.u32 $0xF7A, s1;
	s8 =	simm.s32 @!p0 $0x1BF5;
	p2 =	por !p2, p0  }
0x20: {  	[sflag:s8] =	ssyncset.s32 @!p0 $0xFFFFF086;
	s6 =	sadd.s32 @!p0 s3, s7;
	s7 =	simm.s32 @!p0 $0x108  }
0x21: {  	s3 =	sadd.s32 s3, s9;
	s6 =	sadd.s32 @!p0 $0x88, s6;
	s7 =	simm.s32 @p2 $0x1082  }
0x22: {  	[simem:s7], [sflag:s8] =	dma.local @!p0 [hbm:s6], $0xF7A  }
0x23: {  	s9 =	sor.u32 $0xD0000000, s2;
	s6 =	simm.s32 $0x108;
	_ =	swait.ge @!p0 [sflag:s8], $0x0  }
0x24: {  	s3 =	sadd.s32 $0x88, s3;
	s6 =	simm.s32 @!p1 $0x1082;
	[sflag:s4] =	ssyncset.s32 $0xFFFFF086  }
0x25: {  	[simem:s6], [sflag:s4] =	dma.local [hbm:s3], $0xF7A  }
0x26: {  	[smem:$0x3F9A] =	sst s1;
	(tag) =	ssettag s2;
	_ =	strace s9  }
0x27: {  	s1 =	sld [smem:$0x3FAA]  }
0x28: {  	s2 =	sld [smem:$0x3FAB]  }
0x29: {  	s4 =	sld [smem:$0x3FAD]  }
0x2a: {  	p0 =	seq.s32 s5, $0x0;
	s5 =	sld [smem:$0x3FAE]  }
0x2b: {  	s6 =	sld [smem:$0x3FAF]  }
0x2c: {  	s7 =	sld [smem:$0x3FB0]  }
0x2d: {  	s3 =	simm.s32 $0x108;
	s8 =	sld [smem:$0x3FB1]  }
0x2e: {  	s3 =	simm.s32 @!p0 $0x1082;
	s9 =	sld [smem:$0x3FB2]  }
0x2f: {  	lr =	sadd.s32 s0, s3;
	s0 =	sld [smem:$0x3FA9]  }
0x30: {  	s3 =	sld [smem:$0x3FAC]  }
0x31: {  	[smem:$0x3FB5] =	sst s10  }
0x32: {  	s10 =	sld [smem:$0x3FB3];
	_ =	sdelay $0x3  }
0x33: {  	p0 =	seq.s32 s10, $0x1;
	s10 =	sld [smem:$0x3FB5];
	_ =	sdelay $0x3  }
0x34: {  	[smem:$0x3FB5] =	sst s10  }
0x35: {  	s10 =	sld [smem:$0x3FB4];
	_ =	sdelay $0x3  }
0x36: {  	p1 =	seq.s32 s10, $0x1;
	s10 =	sld [smem:$0x3FB5];
	_ =	sdelay $0x3  }
0x37: {  	[smem:$0x3FB5] =	sst s10  }
0x38: {  	s10 =	sld [smem:$0x3FB6]  }
0x39: {  	_ = 	snop;
	(pc) =	sbr.ind lr, $3  }
0x3a: {  	_ = 	snop  }
0x3b: {  	_ = 	snop  }
0x3c: {  	p2 =	seq.s32 s10, $0x1;
	s10 =	sld [smem:$0x3FB5]  }
0x3d: {  	_ =	shalt  }
0x3e: {  	_ =	shalt  }
0x3f: {  	_ =	shalt  }
0x40: {  	_ =	shalt  }
0x41: {  	_ =	shalt  }
0x42: {  	_ =	shalt  }
0x43: {  	_ =	shalt  }
0x44: {  	_ =	shalt  }
0x45: {  	_ =	shalt  }
0x46: {  	_ =	shalt  }
0x47: {  	_ =	shalt  }
0x48: {  	_ =	shalt  }
0x49: {  	_ =	shalt  }
0x4a: {  	_ =	shalt  }
0x4b: {  	_ =	shalt  }
0x4c: {  	_ =	shalt  }
0x4d: {  	_ =	shalt  }
0x4e: {  	_ =	shalt  }
0x4f: {  	_ =	shalt  }
0x50: {  	_ =	shalt  }
0x51: {  	_ =	shalt  }
0x52: {  	_ =	shalt  }
0x53: {  	_ =	shalt  }
0x54: {  	_ =	shalt  }
0x55: {  	_ =	shalt  }
0x56: {  	_ =	shalt  }
0x57: {  	_ =	shalt  }
0x58: {  	_ =	shalt  }
0x59: {  	_ =	shalt  }
0x5a: {  	_ =	shalt  }
0x5b: {  	_ =	shalt  }
0x5c: {  	_ =	shalt  }
0x5d: {  	_ =	shalt  }
0x5e: {  	_ =	shalt  }
0x5f: {  	_ =	shalt  }
0x60: {  	_ =	shalt  }
0x61: {  	_ =	shalt  }
0x62: {  	_ =	shalt  }
0x63: {  	_ =	shalt  }
0x64: {  	_ =	shalt  }
0x65: {  	_ =	shalt  }
0x66: {  	_ =	shalt  }
0x67: {  	_ =	shalt  }
0x68: {  	_ =	shalt  }
0x69: {  	_ =	shalt  }
0x6a: {  	_ =	shalt  }
0x6b: {  	_ =	shalt  }
0x6c: {  	_ =	shalt  }
0x6d: {  	_ =	shalt  }
0x6e: {  	_ =	shalt  }
0x6f: {  	_ =	shalt  }
0x70: {  	_ =	shalt  }
0x71: {  	_ =	shalt  }
0x72: {  	_ =	shalt  }
0x73: {  	_ =	shalt  }
0x74: {  	_ =	shalt  }
0x75: {  	_ =	shalt  }
0x76: {  	_ =	shalt  }
0x77: {  	_ =	shalt  }
0x78: {  	_ =	shalt  }
0x79: {  	_ =	shalt  }
0x7a: {  	_ =	shalt  }
0x7b: {  	_ =	shalt  }
0x7c: {  	_ =	shalt  }
0x7d: {  	_ =	shalt  }
0x7e: {  	_ =	shalt  }
0x7f: {  	_ =	shalt  }
0x80: {  	_ =	shalt  }
0x81: {  	_ =	shalt  }
0x82: {  	_ =	shalt  }
0x83: {  	_ =	shalt  }
0x84: {  	_ =	shalt  }
0x85: {  	_ =	shalt  }
0x86: {  	_ =	shalt  }
0x87: {  	_ =	shalt  }
.Lfunc_end0:
.L_simem_size_0:
called_computation.1_lowered:
.L_overlay_start_0:
0x88: {  	s2 =	sld [smem:$0x3FD9]  }
0x89: {  	s3 =	sld [smem:$0x3FFE];
	_ =	sdelay $0x1  }
0x8a: {  	s1 =	srdreg.scid  }
0x8b: {  	s0 =	sand.u32 $0x1, s1  }
0x8c: {  	s17 =	sshll.u32 s0, $0xA;
	s2 =	sadd.s32 s3, s2  }
0x8d: {  	s2 =	sadd.s32 s2, s17  }
0x8e: {  	[smem:$0x3FC1] =	sst s2  }
0x8f: {  	_ = 	snop  }
0x90: {  	s2 =	sld [smem:$0x3FC8]  }
0x91: {  	s18 =	sld [smem:$0x3FD0];
	(tm) =	ssettm $0x1  }
0x92: {  	s4 =	sld [smem:$0x3FFB];
	_ =	sdelay $0x3  }
0x93: {  	_ =	strace s4  }
0x94: {  	s4 =	sld [smem:$0x3FFC];
	_ =	sdelay $0x3  }
0x95: {  	_ =	strace s4  }
0x96: {  	s4 =	sld [smem:$0x3FFD];
	_ =	sdelay $0x3  }
0x97: {  	_ =	strace s4  }
0x98: {  	_ =	strace $0x8FFFFFFF  }
0x99: {  	s19 =	sld [smem:$0x3FDB];
	_ =	sdelay $0x1  }
0x9a: {  	s5 =	simm.s32 $_scs_section_size  }
0x9b: {  	s6 =	simm.s32 $_size__tile_overlayer_lowered;
	s7 =	simm.s32 $_tile_overlayer_lowered  }
0x9c: {  	s22 =	simm.s32 $0x1BFF;
	s21 =	sshll.u32 s7, $0x1;
	s4 =	sadd.s32 s5, s19  }
0x9d: {  	s8 =	simm.s32 $0x0;
	s20 =	sshll.u32 s6, $0x1;
	s6 =	sadd.s32 s21, s4  }
0x9e: {  	[timem:s8], [sflag:s22] =	dma.local [hbm:s6], s20  }
0x9f: {  	_ =	swait.ge [sflag:s22], s20  }
0xa0: {  	s5 =	ssub.s32 $0x0, s20;
	[sflag:s22] =	ssyncset.done $0x0  }
0xa1: {  	[sflag:s22] =	ssyncadd.s32 s5;
	_ =	sdelay $0x1  }
0xa2: {  	s23 =	simm.s32 $0x1B8B  }
0xa3: {  	_ =	swait.ge [sflag:s23], $0x1  }
0xa4: {  	[sflag:s23] =	ssyncset.done $0x0  }
0xa5: {  	s25 =	simm.s32 $0x1B8E;
	s24 =	sld [smem:$0x3FFE];
	[sflag:s23] =	ssyncadd.s32 $0xFFFFFFFF  }
0xa6: {  	s26 =	simm.s32 $execute0_lowered;
	[smem:$0x3FD2] =	sst s25  }
0xa7: {  	s6 =	sshll.u32 s26, $0x1;
	_ =	strace $0x80000046;
	[dreg:$0x1] =	wrdreg $0xFFFFFFFF  }
0xa8: {  	s28 =	simm.s32 $_size_execute0_lowered;
	s4 =	sadd.s32 s4, s6;
	[dreg:$0x0] =	wrdreg $0x0  }
0xa9: {  	s6 =	sshll.u32 s28, $0x1;
	[dreg:$0x2] =	wrdreg s4  }
0xaa: {  	[dreg:$0x3] =	wrdreg s6  }
0xab: {  	[dreg:$0x4] =	wrdreg $0xC0  }
0xac: {  	_ =	task [dreg:s8], $0x5FFFF  }
0xad: {  	[dreg:$0x1] =	wrdreg $0xFFFFFFFF  }
0xae: {  	[dreg:$0x0] =	wrdreg $0x60  }
0xaf: {  	[dreg:$0x2] =	wrdreg s2  }
0xb0: {  	[dreg:$0x3] =	wrdreg s24  }
0xb1: {  	[dreg:$0x4] =	wrdreg s18  }
0xb2: {  	[dreg:$0x5] =	wrdreg $0x9  }
0xb3: {  	_ =	task.clear_ibuf [dreg:s8], $0x6FFFF;
	_ =	strace $0x90000046  }
0xb4: {  	s29 =	simm.s32 $0x9;
	_ =	strace $0x80000048  }
0xb5: {  	_ =	swait.ge [sflag:s29], $0x1  }
0xb6: {  	[sflag:s29] =	ssyncadd.s32 $0xFFFFFFFF  }
0xb7: {  	_ =	strace $0x90000048  }
0xb8: {  	_ =	sfence  }
0xb9: {  	s30 =	sld [smem:$0x0];
	_ =	sdelay $0x2  }
0xba: {  	s31 =	sshll.u32 s1, $0xD;
	s1 =	sshrl.u32 s1, $0x2  }
0xbb: {  	s3 =	sand.u32 $0x4000, s31;
	s1 =	sadd.s32 s1, s30  }
0xbc: {  	s0 =	sor.u32 s3, s0;
	s1 =	sshll.u32 s1, $0x11  }
0xbd: {  	s0 =	sor.u32 s1, s0  }
0xbe: {  	s0 =	sadd.s32 $0x8F2B, s0  }
0xbf: {  	[sflag:s0] =	ssyncadd.remote.s32 $0x1  }
0xc0: {  	_ =	sfence.sel $0xFFFF  }
0xc1: {  	[dreg:$0x0] =	wrdreg $0xFFFFFFFF;
	(pc) =	sbr.abs _section_cstart, $3  }
0xc2: {  	[dreg:$0x1] =	wrdreg $0xFFFFFFFF  }
0xc3: {  	_ =	task.clear_ibuf [dreg:s8], $0x2FFFF;
	_ =	strace $0x9FFFFFFF  }
0xc4: {  	(tm) =	ssettm $0x7FFFFFFF  }
0xc5: {  	_ =	shalt  }
tec
execute0_lowered:
.L_overlay_start_1:
0x0: {  	(tag) =	ssettag $0x1  }
0x1: {  	s1 =	rddreg [dreg:$0x0]  }
0x2: {  	s4 =	rddreg [dreg:$0x1]  }
0x3: {  	s11 =	rddreg [dreg:$0x2]  }
0x4: {  	s0 =	rddreg [dreg:$0x3]  }
0x5: {  	s3 =	simm.s32 $0x0;
	s5 =	srdreg.scid;
	s2 =	stileid.u32  }
0x6: {  	s15 =	simm.s32 $0x880;
	s16 =	simm.s32 $0x1080;
	s17 =	simm.s32 $0x1880  }
0x7: {  	s18 =	simm.s32 $0x2080;
	s19 =	simm.s32 $0x2880;
	s20 =	simm.s32 $0x3080  }
0x8: {  	s28 =	simm.s32 $0x6880;
	s29 =	simm.s32 $0x7080;
	s30 =	simm.s32 $0x7880  }
0x9: {  	s31 =	simm.s32 $0x1;
	[smem:$0x7FF] =	sst s3;
	s5 =	sand.u32 $0x1, s5  }
0xa: {  	s7 =	sshll.u32 s2, $0xA;
	s6 =	ssub.s32 $0x2, s5;
	s5 =	sshll.u32 s5, $0x9  }
0xb: {  	s10 =	sadd.s32 $0x1200, s4;
	s21 =	sshrl.u32 s6, $0x1;
	s9 =	sor.u32 s5, s7  }
0xc: {  	_ =	strace $0x80000047;
	s12 =	ssub.s32 s6, s21;
	s22 =	sshrl.u32 s9, $0x3  }
0xd: {  	s5 =	sshll.u32 s9, $0x5;
	s23 =	sor.u32 $0x80, s9;
	s13 =	sor.u32 $0x100, s9  }
0xe: {  	s14 =	sor.u32 $0x180, s9;
	s21 =	simm.s32 $0x3880;
	s4 =	sadd.s32 s10, s22  }
0xf: {  	s5 =	sadd.s32 s11, s5;
	s24 =	sshrl.u32 s23, $0x3;
	s8 =	sshll.u32 s23, $0x5  }
0x10: {  	s25 =	sshrl.u32 s13, $0x3;
	s13 =	sshll.u32 s13, $0x5;
	s26 =	sshrl.u32 s14, $0x3  }
0x11: {  	s14 =	sshll.u32 s14, $0x5;
	s12 =	smax.u32 s12, $0x1;
	s22 =	simm.s32 $0x4080  }
0x12: {  	s23 =	simm.s32 $0x4880;
	s6 =	sadd.s32 s10, s24;
	s7 =	sadd.s32 s11, s8  }
0x13: {  	v2 =	vlaneseq.u32;
	s8 =	sadd.s32 s10, s25;
	s9 =	sadd.s32 s11, s13;
	s10 =	sadd.s32 s10, s26  }
0x14: {  	vm0 =	vmmov $0xffff;
	v1 =	vshrl.u32 v2, $0x3;
	s11 =	sadd.s32 s11, s14;
	s13 =	simm.s32 $0x2;
	s14 =	simm.s32 $0x80  }
0x15: {  	v0 =	vand.u32 $0x7, v2;
	v2 =	vor.u32 $0x8, v2;
	v1 =	vmul.u32 $0x8, v1;
	s24 =	simm.s32 $0x5080;
	s25 =	simm.s32 $0x5880;
	s26 =	simm.s32 $0x6080  }
.LBB2_1:
0x16: {  	[tilespmem:s3], [sflag:$0x2] =	stream.linear.gather [hbm4b:s4+s3], $0x80, $0x38;
	[tilespmem:$0x8080] =	vst v63  }
0x17: {  	_ =	swait.ge [sflag:s13], $0x80  }
0x18: {  	[sflag:s13] =	ssyncset.done $0x0  }
0x19: {  	[sflag:s13] =	ssyncadd.s32 $0xFFFFFF80  }
0x1a: {  	v3 =	vld [tilespmem:$0x0];
	_ =	sdelay $0x4  }
0x1b: {  	v4 =	vshll.u32 v3, $0x1  }
0x1c: {  	v3 =	vand.u32 $0x7, v3;
	v4 =	vand.u32 $0xFFFFFFF0, v4  }
0x1d: {  	v3 =	vor.u32 v3, v4  }
0x1e: {  	v4 =	vperm.xlane v3, v0;
	_ =	sdelay $0x1  }
0x1f: {  	v3 =	vperm.xlane v3, v2;
	v4 =	vadd.s32 v1, v4;
	_ =	sdelay $0x1  }
0x20: {  	v3 =	vadd.s32 v1, v3;
	_ =	sdelay $0x2  }
0x21: {  	[tilespmem:s14], [sflag:$0x1] =	stream.indirect_vreg.gather [hbm4b:s1+s3], $0x80, v4, vm0, $0xb8;
	[tilespmem:$0x8080] =	vst v63  }
0x22: {  	_ = 	snop  }
0x23: {  	[tilespmem:s15], [sflag:$0x1] =	stream.indirect_vreg.gather [hbm4b:s1+s3], $0x80, v3, vm0, $0xb8;
	[tilespmem:$0x8080] =	vst v63  }
0x24: {  	v3 =	vld [tilespmem:$0x10];
	_ =	sdelay $0x4  }
0x25: {  	v33 =	vshll.u32 v3, $0x1  }
0x26: {  	v3 =	vand.u32 $0x7, v3;
	v4 =	vand.u32 $0xFFFFFFF0, v33  }
0x27: {  	v3 =	vor.u32 v3, v4  }
0x28: {  	v4 =	vperm.xlane v3, v0;
	_ =	sdelay $0x1  }
0x29: {  	v3 =	vperm.xlane v3, v2;
	v4 =	vadd.s32 v1, v4;
	_ =	sdelay $0x1  }
0x2a: {  	v3 =	vadd.s32 v1, v3;
	_ =	sdelay $0x2  }
0x2b: {  	[tilespmem:s16], [sflag:$0x1] =	stream.indirect_vreg.gather [hbm4b:s1+s3], $0x80, v4, vm0, $0xb8;
	[tilespmem:$0x8080] =	vst v63  }
0x2c: {  	_ = 	snop  }
0x2d: {  	[tilespmem:s17], [sflag:$0x1] =	stream.indirect_vreg.gather [hbm4b:s1+s3], $0x80, v3, vm0, $0xb8;
	[tilespmem:$0x8080] =	vst v63  }
0x2e: {  	v3 =	vld [tilespmem:$0x20];
	_ =	sdelay $0x4  }
0x2f: {  	v34 =	vshll.u32 v3, $0x1  }
0x30: {  	v3 =	vand.u32 $0x7, v3;
	v4 =	vand.u32 $0xFFFFFFF0, v34  }
0x31: {  	v3 =	vor.u32 v3, v4  }
0x32: {  	v4 =	vperm.xlane v3, v0;
	_ =	sdelay $0x1  }
0x33: {  	v3 =	vperm.xlane v3, v2;
	v4 =	vadd.s32 v1, v4;
	_ =	sdelay $0x1  }
0x34: {  	v3 =	vadd.s32 v1, v3;
	_ =	sdelay $0x2  }
0x35: {  	[tilespmem:s18], [sflag:$0x1] =	stream.indirect_vreg.gather [hbm4b:s1+s3], $0x80, v4, vm0, $0xb8;
	[tilespmem:$0x8080] =	vst v63  }
0x36: {  	_ = 	snop  }
0x37: {  	[tilespmem:s19], [sflag:$0x1] =	stream.indirect_vreg.gather [hbm4b:s1+s3], $0x80, v3, vm0, $0xb8;
	[tilespmem:$0x8080] =	vst v63  }
0x38: {  	v3 =	vld [tilespmem:$0x30];
	_ =	sdelay $0x4  }
0x39: {  	v35 =	vshll.u32 v3, $0x1  }
0x3a: {  	v3 =	vand.u32 $0x7, v3;
	v4 =	vand.u32 $0xFFFFFFF0, v35  }
0x3b: {  	v3 =	vor.u32 v3, v4  }
0x3c: {  	v4 =	vperm.xlane v3, v0;
	_ =	sdelay $0x1  }
0x3d: {  	v3 =	vperm.xlane v3, v2;
	v4 =	vadd.s32 v1, v4;
	_ =	sdelay $0x1  }
0x3e: {  	v3 =	vadd.s32 v1, v3;
	_ =	sdelay $0x2  }
0x3f: {  	[tilespmem:s20], [sflag:$0x1] =	stream.indirect_vreg.gather [hbm4b:s1+s3], $0x80, v4, vm0, $0xb8;
	[tilespmem:$0x8080] =	vst v63  }
0x40: {  	_ = 	snop  }
0x41: {  	[tilespmem:s21], [sflag:$0x1] =	stream.indirect_vreg.gather [hbm4b:s1+s3], $0x80, v3, vm0, $0xb8;
	[tilespmem:$0x8080] =	vst v63  }
0x42: {  	v3 =	vld [tilespmem:$0x40];
	_ =	sdelay $0x4  }
0x43: {  	v36 =	vshll.u32 v3, $0x1  }
0x44: {  	v3 =	vand.u32 $0x7, v3;
	v4 =	vand.u32 $0xFFFFFFF0, v36  }
0x45: {  	v3 =	vor.u32 v3, v4  }
0x46: {  	v4 =	vperm.xlane v3, v0;
	_ =	sdelay $0x1  }
0x47: {  	v3 =	vperm.xlane v3, v2;
	v4 =	vadd.s32 v1, v4;
	_ =	sdelay $0x1  }
0x48: {  	v3 =	vadd.s32 v1, v3;
	_ =	sdelay $0x2  }
0x49: {  	[tilespmem:s22], [sflag:$0x1] =	stream.indirect_vreg.gather [hbm4b:s1+s3], $0x80, v4, vm0, $0xb8;
	[tilespmem:$0x8080] =	vst v63  }
0x4a: {  	_ = 	snop  }
0x4b: {  	[tilespmem:s23], [sflag:$0x1] =	stream.indirect_vreg.gather [hbm4b:s1+s3], $0x80, v3, vm0, $0xb8;
	[tilespmem:$0x8080] =	vst v63  }
0x4c: {  	v3 =	vld [tilespmem:$0x50];
	_ =	sdelay $0x4  }
0x4d: {  	v37 =	vshll.u32 v3, $0x1  }
0x4e: {  	v3 =	vand.u32 $0x7, v3;
	v4 =	vand.u32 $0xFFFFFFF0, v37  }
0x4f: {  	v3 =	vor.u32 v3, v4  }
0x50: {  	v4 =	vperm.xlane v3, v0;
	_ =	sdelay $0x1  }
0x51: {  	v3 =	vperm.xlane v3, v2;
	v4 =	vadd.s32 v1, v4;
	_ =	sdelay $0x1  }
0x52: {  	v3 =	vadd.s32 v1, v3;
	_ =	sdelay $0x2  }
0x53: {  	[tilespmem:s24], [sflag:$0x1] =	stream.indirect_vreg.gather [hbm4b:s1+s3], $0x80, v4, vm0, $0xb8;
	[tilespmem:$0x8080] =	vst v63  }
0x54: {  	_ = 	snop  }
0x55: {  	[tilespmem:s25], [sflag:$0x1] =	stream.indirect_vreg.gather [hbm4b:s1+s3], $0x80, v3, vm0, $0xb8;
	[tilespmem:$0x8080] =	vst v63  }
0x56: {  	v3 =	vld [tilespmem:$0x60];
	_ =	sdelay $0x4  }
0x57: {  	v38 =	vshll.u32 v3, $0x1  }
0x58: {  	v3 =	vand.u32 $0x7, v3;
	v4 =	vand.u32 $0xFFFFFFF0, v38  }
0x59: {  	v3 =	vor.u32 v3, v4  }
0x5a: {  	v4 =	vperm.xlane v3, v0;
	_ =	sdelay $0x1  }
0x5b: {  	v3 =	vperm.xlane v3, v2;
	v4 =	vadd.s32 v1, v4;
	_ =	sdelay $0x1  }
0x5c: {  	v3 =	vadd.s32 v1, v3;
	_ =	sdelay $0x2  }
0x5d: {  	[tilespmem:s26], [sflag:$0x1] =	stream.indirect_vreg.gather [hbm4b:s1+s3], $0x80, v4, vm0, $0xb8;
	[tilespmem:$0x8080] =	vst v63  }
0x5e: {  	_ = 	snop  }
0x5f: {  	[tilespmem:s28], [sflag:$0x1] =	stream.indirect_vreg.gather [hbm4b:s1+s3], $0x80, v3, vm0, $0xb8;
	[tilespmem:$0x8080] =	vst v63  }
0x60: {  	v3 =	vld [tilespmem:$0x70];
	_ =	sdelay $0x4  }
0x61: {  	v39 =	vshll.u32 v3, $0x1  }
0x62: {  	v3 =	vand.u32 $0x7, v3;
	v4 =	vand.u32 $0xFFFFFFF0, v39  }
0x63: {  	v3 =	vor.u32 v3, v4  }
0x64: {  	v4 =	vperm.xlane v3, v0;
	_ =	sdelay $0x1  }
0x65: {  	v3 =	vperm.xlane v3, v2;
	v4 =	vadd.s32 v1, v4;
	_ =	sdelay $0x1  }
0x66: {  	v3 =	vadd.s32 v1, v3;
	_ =	sdelay $0x2  }
0x67: {  	[tilespmem:s29], [sflag:$0x1] =	stream.indirect_vreg.gather [hbm4b:s1+s3], $0x80, v4, vm0, $0xb8;
	[tilespmem:$0x8080] =	vst v63  }
0x68: {  	_ = 	snop  }
0x69: {  	[tilespmem:s30], [sflag:$0x1] =	stream.indirect_vreg.gather [hbm4b:s1+s3], $0x80, v3, vm0, $0xb8;
	[tilespmem:$0x8080] =	vst v63  }
0x6a: {  	_ =	swait.ge [sflag:s31], $0x8000  }
0x6b: {  	[sflag:s31] =	ssyncset.done $0x0  }
0x6c: {  	[sflag:s31] =	ssyncadd.s32 $0xFFFF8000  }
0x6d: {  	[hbm4b:s5+s3] =	stream.linear.scatter [tilespmem:s14], [sflag:$0x2], $0x8000, $0x38;
	[tilespmem:$0x8080] =	vst v63  }
0x6e: {  	_ =	swait.ge [sflag:s13], $0x8000  }
0x6f: {  	[sflag:s13] =	ssyncset.done $0x0  }
0x70: {  	[sflag:s13] =	ssyncadd.s32 $0xFFFF8000  }
0x71: {  	[tilespmem:s3], [sflag:$0x2] =	stream.linear.gather [hbm4b:s6+s3], $0x80, $0x38;
	[tilespmem:$0x8080] =	vst v63  }
0x72: {  	_ =	swait.ge [sflag:s13], $0x80  }
0x73: {  	[sflag:s13] =	ssyncset.done $0x0  }
0x74: {  	[sflag:s13] =	ssyncadd.s32 $0xFFFFFF80  }
0x75: {  	v3 =	vld [tilespmem:$0x0];
	_ =	sdelay $0x4  }
0x76: {  	v40 =	vshll.u32 v3, $0x1  }
0x77: {  	v3 =	vand.u32 $0x7, v3;
	v4 =	vand.u32 $0xFFFFFFF0, v40  }
0x78: {  	v3 =	vor.u32 v3, v4  }
0x79: {  	v4 =	vperm.xlane v3, v0;
	_ =	sdelay $0x1  }
0x7a: {  	v3 =	vperm.xlane v3, v2;
	v4 =	vadd.s32 v1, v4;
	_ =	sdelay $0x1  }
0x7b: {  	v3 =	vadd.s32 v1, v3;
	_ =	sdelay $0x2  }
0x7c: {  	[tilespmem:s14], [sflag:$0x1] =	stream.indirect_vreg.gather [hbm4b:s1+s3], $0x80, v4, vm0, $0xb8;
	[tilespmem:$0x8080] =	vst v63  }
0x7d: {  	_ = 	snop  }
0x7e: {  	[tilespmem:s15], [sflag:$0x1] =	stream.indirect_vreg.gather [hbm4b:s1+s3], $0x80, v3, vm0, $0xb8;
	[tilespmem:$0x8080] =	vst v63  }
0x7f: {  	v3 =	vld [tilespmem:$0x10];
	_ =	sdelay $0x4  }
0x80: {  	v41 =	vshll.u32 v3, $0x1  }
0x81: {  	v3 =	vand.u32 $0x7, v3;
	v4 =	vand.u32 $0xFFFFFFF0, v41  }
0x82: {  	v3 =	vor.u32 v3, v4  }
0x83: {  	v4 =	vperm.xlane v3, v0;
	_ =	sdelay $0x1  }
0x84: {  	v3 =	vperm.xlane v3, v2;
	v4 =	vadd.s32 v1, v4;
	_ =	sdelay $0x1  }
0x85: {  	v3 =	vadd.s32 v1, v3;
	_ =	sdelay $0x2  }
0x86: {  	[tilespmem:s16], [sflag:$0x1] =	stream.indirect_vreg.gather [hbm4b:s1+s3], $0x80, v4, vm0, $0xb8;
	[tilespmem:$0x8080] =	vst v63  }
0x87: {  	_ = 	snop  }
0x88: {  	[tilespmem:s17], [sflag:$0x1] =	stream.indirect_vreg.gather [hbm4b:s1+s3], $0x80, v3, vm0, $0xb8;
	[tilespmem:$0x8080] =	vst v63  }
0x89: {  	v3 =	vld [tilespmem:$0x20];
	_ =	sdelay $0x4  }
0x8a: {  	v42 =	vshll.u32 v3, $0x1  }
0x8b: {  	v3 =	vand.u32 $0x7, v3;
	v4 =	vand.u32 $0xFFFFFFF0, v42  }
0x8c: {  	v3 =	vor.u32 v3, v4  }
0x8d: {  	v4 =	vperm.xlane v3, v0;
	_ =	sdelay $0x1  }
0x8e: {  	v3 =	vperm.xlane v3, v2;
	v4 =	vadd.s32 v1, v4;
	_ =	sdelay $0x1  }
0x8f: {  	v3 =	vadd.s32 v1, v3;
	_ =	sdelay $0x2  }
0x90: {  	[tilespmem:s18], [sflag:$0x1] =	stream.indirect_vreg.gather [hbm4b:s1+s3], $0x80, v4, vm0, $0xb8;
	[tilespmem:$0x8080] =	vst v63  }
0x91: {  	_ = 	snop  }
0x92: {  	[tilespmem:s19], [sflag:$0x1] =	stream.indirect_vreg.gather [hbm4b:s1+s3], $0x80, v3, vm0, $0xb8;
	[tilespmem:$0x8080] =	vst v63  }
0x93: {  	v3 =	vld [tilespmem:$0x30];
	_ =	sdelay $0x4  }
0x94: {  	v43 =	vshll.u32 v3, $0x1  }
0x95: {  	v3 =	vand.u32 $0x7, v3;
	v4 =	vand.u32 $0xFFFFFFF0, v43  }
0x96: {  	v3 =	vor.u32 v3, v4  }
0x97: {  	v4 =	vperm.xlane v3, v0;
	_ =	sdelay $0x1  }
0x98: {  	v3 =	vperm.xlane v3, v2;
	v4 =	vadd.s32 v1, v4;
	_ =	sdelay $0x1  }
0x99: {  	v3 =	vadd.s32 v1, v3;
	_ =	sdelay $0x2  }
0x9a: {  	[tilespmem:s20], [sflag:$0x1] =	stream.indirect_vreg.gather [hbm4b:s1+s3], $0x80, v4, vm0, $0xb8;
	[tilespmem:$0x8080] =	vst v63  }
0x9b: {  	_ = 	snop  }
0x9c: {  	[tilespmem:s21], [sflag:$0x1] =	stream.indirect_vreg.gather [hbm4b:s1+s3], $0x80, v3, vm0, $0xb8;
	[tilespmem:$0x8080] =	vst v63  }
0x9d: {  	v3 =	vld [tilespmem:$0x40];
	_ =	sdelay $0x4  }
0x9e: {  	v44 =	vshll.u32 v3, $0x1  }
0x9f: {  	v3 =	vand.u32 $0x7, v3;
	v4 =	vand.u32 $0xFFFFFFF0, v44  }
0xa0: {  	v3 =	vor.u32 v3, v4  }
0xa1: {  	v4 =	vperm.xlane v3, v0;
	_ =	sdelay $0x1  }
0xa2: {  	v3 =	vperm.xlane v3, v2;
	v4 =	vadd.s32 v1, v4;
	_ =	sdelay $0x1  }
0xa3: {  	v3 =	vadd.s32 v1, v3;
	_ =	sdelay $0x2  }
0xa4: {  	[tilespmem:s22], [sflag:$0x1] =	stream.indirect_vreg.gather [hbm4b:s1+s3], $0x80, v4, vm0, $0xb8;
	[tilespmem:$0x8080] =	vst v63  }
0xa5: {  	_ = 	snop  }
0xa6: {  	[tilespmem:s23], [sflag:$0x1] =	stream.indirect_vreg.gather [hbm4b:s1+s3], $0x80, v3, vm0, $0xb8;
	[tilespmem:$0x8080] =	vst v63  }
0xa7: {  	v3 =	vld [tilespmem:$0x50];
	_ =	sdelay $0x4  }
0xa8: {  	v45 =	vshll.u32 v3, $0x1  }
0xa9: {  	v3 =	vand.u32 $0x7, v3;
	v4 =	vand.u32 $0xFFFFFFF0, v45  }
0xaa: {  	v3 =	vor.u32 v3, v4  }
0xab: {  	v4 =	vperm.xlane v3, v0;
	_ =	sdelay $0x1  }
0xac: {  	v3 =	vperm.xlane v3, v2;
	v4 =	vadd.s32 v1, v4;
	_ =	sdelay $0x1  }
0xad: {  	v3 =	vadd.s32 v1, v3;
	_ =	sdelay $0x2  }
0xae: {  	[tilespmem:s24], [sflag:$0x1] =	stream.indirect_vreg.gather [hbm4b:s1+s3], $0x80, v4, vm0, $0xb8;
	[tilespmem:$0x8080] =	vst v63  }
0xaf: {  	_ = 	snop  }
0xb0: {  	[tilespmem:s25], [sflag:$0x1] =	stream.indirect_vreg.gather [hbm4b:s1+s3], $0x80, v3, vm0, $0xb8;
	[tilespmem:$0x8080] =	vst v63  }
0xb1: {  	v3 =	vld [tilespmem:$0x60];
	_ =	sdelay $0x4  }
0xb2: {  	v46 =	vshll.u32 v3, $0x1  }
0xb3: {  	v3 =	vand.u32 $0x7, v3;
	v4 =	vand.u32 $0xFFFFFFF0, v46  }
0xb4: {  	v3 =	vor.u32 v3, v4  }
0xb5: {  	v4 =	vperm.xlane v3, v0;
	_ =	sdelay $0x1  }
0xb6: {  	v3 =	vperm.xlane v3, v2;
	v4 =	vadd.s32 v1, v4;
	_ =	sdelay $0x1  }
0xb7: {  	v3 =	vadd.s32 v1, v3;
	_ =	sdelay $0x2  }
0xb8: {  	[tilespmem:s26], [sflag:$0x1] =	stream.indirect_vreg.gather [hbm4b:s1+s3], $0x80, v4, vm0, $0xb8;
	[tilespmem:$0x8080] =	vst v63  }
0xb9: {  	_ = 	snop  }
0xba: {  	[tilespmem:s28], [sflag:$0x1] =	stream.indirect_vreg.gather [hbm4b:s1+s3], $0x80, v3, vm0, $0xb8;
	[tilespmem:$0x8080] =	vst v63  }
0xbb: {  	v3 =	vld [tilespmem:$0x70];
	_ =	sdelay $0x4  }
0xbc: {  	v47 =	vshll.u32 v3, $0x1  }
0xbd: {  	v3 =	vand.u32 $0x7, v3;
	v4 =	vand.u32 $0xFFFFFFF0, v47  }
0xbe: {  	v3 =	vor.u32 v3, v4  }
0xbf: {  	v4 =	vperm.xlane v3, v0;
	_ =	sdelay $0x1  }
0xc0: {  	v3 =	vperm.xlane v3, v2;
	v4 =	vadd.s32 v1, v4;
	_ =	sdelay $0x1  }
0xc1: {  	v3 =	vadd.s32 v1, v3;
	_ =	sdelay $0x2  }
0xc2: {  	[tilespmem:s29], [sflag:$0x1] =	stream.indirect_vreg.gather [hbm4b:s1+s3], $0x80, v4, vm0, $0xb8;
	[tilespmem:$0x8080] =	vst v63  }
0xc3: {  	_ = 	snop  }
0xc4: {  	[tilespmem:s30], [sflag:$0x1] =	stream.indirect_vreg.gather [hbm4b:s1+s3], $0x80, v3, vm0, $0xb8;
	[tilespmem:$0x8080] =	vst v63  }
0xc5: {  	_ =	swait.ge [sflag:s31], $0x8000  }
0xc6: {  	[sflag:s31] =	ssyncset.done $0x0  }
0xc7: {  	[sflag:s31] =	ssyncadd.s32 $0xFFFF8000  }
0xc8: {  	[hbm4b:s7+s3] =	stream.linear.scatter [tilespmem:s14], [sflag:$0x2], $0x8000, $0x38;
	[tilespmem:$0x8080] =	vst v63  }
0xc9: {  	_ =	swait.ge [sflag:s13], $0x8000  }
0xca: {  	[sflag:s13] =	ssyncset.done $0x0  }
0xcb: {  	[sflag:s13] =	ssyncadd.s32 $0xFFFF8000  }
0xcc: {  	[tilespmem:s3], [sflag:$0x2] =	stream.linear.gather [hbm4b:s8+s3], $0x80, $0x38;
	[tilespmem:$0x8080] =	vst v63  }
0xcd: {  	_ =	swait.ge [sflag:s13], $0x80  }
0xce: {  	[sflag:s13] =	ssyncset.done $0x0  }
0xcf: {  	[sflag:s13] =	ssyncadd.s32 $0xFFFFFF80  }
0xd0: {  	v3 =	vld [tilespmem:$0x0];
	_ =	sdelay $0x4  }
0xd1: {  	v48 =	vshll.u32 v3, $0x1  }
0xd2: {  	v3 =	vand.u32 $0x7, v3;
	v4 =	vand.u32 $0xFFFFFFF0, v48  }
0xd3: {  	v3 =	vor.u32 v3, v4  }
0xd4: {  	v4 =	vperm.xlane v3, v0;
	_ =	sdelay $0x1  }
0xd5: {  	v3 =	vperm.xlane v3, v2;
	v4 =	vadd.s32 v1, v4;
	_ =	sdelay $0x1  }
0xd6: {  	v3 =	vadd.s32 v1, v3;
	_ =	sdelay $0x2  }
0xd7: {  	[tilespmem:s14], [sflag:$0x1] =	stream.indirect_vreg.gather [hbm4b:s1+s3], $0x80, v4, vm0, $0xb8;
	[tilespmem:$0x8080] =	vst v63  }
0xd8: {  	_ = 	snop  }
0xd9: {  	[tilespmem:s15], [sflag:$0x1] =	stream.indirect_vreg.gather [hbm4b:s1+s3], $0x80, v3, vm0, $0xb8;
	[tilespmem:$0x8080] =	vst v63  }
0xda: {  	v3 =	vld [tilespmem:$0x10];
	_ =	sdelay $0x4  }
0xdb: {  	v49 =	vshll.u32 v3, $0x1  }
0xdc: {  	v3 =	vand.u32 $0x7, v3;
	v4 =	vand.u32 $0xFFFFFFF0, v49  }
0xdd: {  	v3 =	vor.u32 v3, v4  }
0xde: {  	v4 =	vperm.xlane v3, v0;
	_ =	sdelay $0x1  }
0xdf: {  	v3 =	vperm.xlane v3, v2;
	v4 =	vadd.s32 v1, v4;
	_ =	sdelay $0x1  }
0xe0: {  	v3 =	vadd.s32 v1, v3;
	_ =	sdelay $0x2  }
0xe1: {  	[tilespmem:s16], [sflag:$0x1] =	stream.indirect_vreg.gather [hbm4b:s1+s3], $0x80, v4, vm0, $0xb8;
	[tilespmem:$0x8080] =	vst v63  }
0xe2: {  	_ = 	snop  }
0xe3: {  	[tilespmem:s17], [sflag:$0x1] =	stream.indirect_vreg.gather [hbm4b:s1+s3], $0x80, v3, vm0, $0xb8;
	[tilespmem:$0x8080] =	vst v63  }
0xe4: {  	v3 =	vld [tilespmem:$0x20];
	_ =	sdelay $0x4  }
0xe5: {  	v50 =	vshll.u32 v3, $0x1  }
0xe6: {  	v3 =	vand.u32 $0x7, v3;
	v4 =	vand.u32 $0xFFFFFFF0, v50  }
0xe7: {  	v3 =	vor.u32 v3, v4  }
0xe8: {  	v4 =	vperm.xlane v3, v0;
	_ =	sdelay $0x1  }
0xe9: {  	v3 =	vperm.xlane v3, v2;
	v4 =	vadd.s32 v1, v4;
	_ =	sdelay $0x1  }
0xea: {  	v3 =	vadd.s32 v1, v3;
	_ =	sdelay $0x2  }
0xeb: {  	[tilespmem:s18], [sflag:$0x1] =	stream.indirect_vreg.gather [hbm4b:s1+s3], $0x80, v4, vm0, $0xb8;
	[tilespmem:$0x8080] =	vst v63  }
0xec: {  	_ = 	snop  }
0xed: {  	[tilespmem:s19], [sflag:$0x1] =	stream.indirect_vreg.gather [hbm4b:s1+s3], $0x80, v3, vm0, $0xb8;
	[tilespmem:$0x8080] =	vst v63  }
0xee: {  	v3 =	vld [tilespmem:$0x30];
	_ =	sdelay $0x4  }
0xef: {  	v51 =	vshll.u32 v3, $0x1  }
0xf0: {  	v3 =	vand.u32 $0x7, v3;
	v4 =	vand.u32 $0xFFFFFFF0, v51  }
0xf1: {  	v3 =	vor.u32 v3, v4  }
0xf2: {  	v4 =	vperm.xlane v3, v0;
	_ =	sdelay $0x1  }
0xf3: {  	v3 =	vperm.xlane v3, v2;
	v4 =	vadd.s32 v1, v4;
	_ =	sdelay $0x1  }
0xf4: {  	v3 =	vadd.s32 v1, v3;
	_ =	sdelay $0x2  }
0xf5: {  	[tilespmem:s20], [sflag:$0x1] =	stream.indirect_vreg.gather [hbm4b:s1+s3], $0x80, v4, vm0, $0xb8;
	[tilespmem:$0x8080] =	vst v63  }
0xf6: {  	_ = 	snop  }
0xf7: {  	[tilespmem:s21], [sflag:$0x1] =	stream.indirect_vreg.gather [hbm4b:s1+s3], $0x80, v3, vm0, $0xb8;
	[tilespmem:$0x8080] =	vst v63  }
0xf8: {  	v3 =	vld [tilespmem:$0x40];
	_ =	sdelay $0x4  }
0xf9: {  	v52 =	vshll.u32 v3, $0x1  }
0xfa: {  	v3 =	vand.u32 $0x7, v3;
	v4 =	vand.u32 $0xFFFFFFF0, v52  }
0xfb: {  	v3 =	vor.u32 v3, v4  }
0xfc: {  	v4 =	vperm.xlane v3, v0;
	_ =	sdelay $0x1  }
0xfd: {  	v3 =	vperm.xlane v3, v2;
	v4 =	vadd.s32 v1, v4;
	_ =	sdelay $0x1  }
0xfe: {  	v3 =	vadd.s32 v1, v3;
	_ =	sdelay $0x2  }
0xff: {  	[tilespmem:s22], [sflag:$0x1] =	stream.indirect_vreg.gather [hbm4b:s1+s3], $0x80, v4, vm0, $0xb8;
	[tilespmem:$0x8080] =	vst v63  }
0x100: {  	_ = 	snop  }
0x101: {  	[tilespmem:s23], [sflag:$0x1] =	stream.indirect_vreg.gather [hbm4b:s1+s3], $0x80, v3, vm0, $0xb8;
	[tilespmem:$0x8080] =	vst v63  }
0x102: {  	v3 =	vld [tilespmem:$0x50];
	_ =	sdelay $0x4  }
0x103: {  	v53 =	vshll.u32 v3, $0x1  }
0x104: {  	v3 =	vand.u32 $0x7, v3;
	v4 =	vand.u32 $0xFFFFFFF0, v53  }
0x105: {  	v3 =	vor.u32 v3, v4  }
0x106: {  	v4 =	vperm.xlane v3, v0;
	_ =	sdelay $0x1  }
0x107: {  	v3 =	vperm.xlane v3, v2;
	v4 =	vadd.s32 v1, v4;
	_ =	sdelay $0x1  }
0x108: {  	v3 =	vadd.s32 v1, v3;
	_ =	sdelay $0x2  }
0x109: {  	[tilespmem:s24], [sflag:$0x1] =	stream.indirect_vreg.gather [hbm4b:s1+s3], $0x80, v4, vm0, $0xb8;
	[tilespmem:$0x8080] =	vst v63  }
0x10a: {  	_ = 	snop  }
0x10b: {  	[tilespmem:s25], [sflag:$0x1] =	stream.indirect_vreg.gather [hbm4b:s1+s3], $0x80, v3, vm0, $0xb8;
	[tilespmem:$0x8080] =	vst v63  }
0x10c: {  	v3 =	vld [tilespmem:$0x60];
	_ =	sdelay $0x4  }
0x10d: {  	v54 =	vshll.u32 v3, $0x1  }
0x10e: {  	v3 =	vand.u32 $0x7, v3;
	v4 =	vand.u32 $0xFFFFFFF0, v54  }
0x10f: {  	v3 =	vor.u32 v3, v4  }
0x110: {  	v4 =	vperm.xlane v3, v0;
	_ =	sdelay $0x1  }
0x111: {  	v3 =	vperm.xlane v3, v2;
	v4 =	vadd.s32 v1, v4;
	_ =	sdelay $0x1  }
0x112: {  	v3 =	vadd.s32 v1, v3;
	_ =	sdelay $0x2  }
0x113: {  	[tilespmem:s26], [sflag:$0x1] =	stream.indirect_vreg.gather [hbm4b:s1+s3], $0x80, v4, vm0, $0xb8;
	[tilespmem:$0x8080] =	vst v63  }
0x114: {  	_ = 	snop  }
0x115: {  	[tilespmem:s28], [sflag:$0x1] =	stream.indirect_vreg.gather [hbm4b:s1+s3], $0x80, v3, vm0, $0xb8;
	[tilespmem:$0x8080] =	vst v63  }
0x116: {  	v3 =	vld [tilespmem:$0x70];
	_ =	sdelay $0x4  }
0x117: {  	v55 =	vshll.u32 v3, $0x1  }
0x118: {  	v3 =	vand.u32 $0x7, v3;
	v4 =	vand.u32 $0xFFFFFFF0, v55  }
0x119: {  	v3 =	vor.u32 v3, v4  }
0x11a: {  	v4 =	vperm.xlane v3, v0;
	_ =	sdelay $0x1  }
0x11b: {  	v3 =	vperm.xlane v3, v2;
	v4 =	vadd.s32 v1, v4;
	_ =	sdelay $0x1  }
0x11c: {  	v3 =	vadd.s32 v1, v3;
	_ =	sdelay $0x2  }
0x11d: {  	[tilespmem:s29], [sflag:$0x1] =	stream.indirect_vreg.gather [hbm4b:s1+s3], $0x80, v4, vm0, $0xb8;
	[tilespmem:$0x8080] =	vst v63  }
0x11e: {  	_ = 	snop  }
0x11f: {  	[tilespmem:s30], [sflag:$0x1] =	stream.indirect_vreg.gather [hbm4b:s1+s3], $0x80, v3, vm0, $0xb8;
	[tilespmem:$0x8080] =	vst v63  }
0x120: {  	_ =	swait.ge [sflag:s31], $0x8000  }
0x121: {  	[sflag:s31] =	ssyncset.done $0x0  }
0x122: {  	[sflag:s31] =	ssyncadd.s32 $0xFFFF8000  }
0x123: {  	[hbm4b:s9+s3] =	stream.linear.scatter [tilespmem:s14], [sflag:$0x2], $0x8000, $0x38;
	[tilespmem:$0x8080] =	vst v63  }
0x124: {  	_ =	swait.ge [sflag:s13], $0x8000  }
0x125: {  	[sflag:s13] =	ssyncset.done $0x0  }
0x126: {  	[sflag:s13] =	ssyncadd.s32 $0xFFFF8000  }
0x127: {  	[tilespmem:s3], [sflag:$0x2] =	stream.linear.gather [hbm4b:s10+s3], $0x80, $0x38;
	[tilespmem:$0x8080] =	vst v63  }
0x128: {  	_ =	swait.ge [sflag:s13], $0x80  }
0x129: {  	[sflag:s13] =	ssyncset.done $0x0  }
0x12a: {  	[sflag:s13] =	ssyncadd.s32 $0xFFFFFF80  }
0x12b: {  	v3 =	vld [tilespmem:$0x0];
	_ =	sdelay $0x4  }
0x12c: {  	v56 =	vshll.u32 v3, $0x1  }
0x12d: {  	v3 =	vand.u32 $0x7, v3;
	v4 =	vand.u32 $0xFFFFFFF0, v56  }
0x12e: {  	v3 =	vor.u32 v3, v4  }
0x12f: {  	v4 =	vperm.xlane v3, v0;
	_ =	sdelay $0x1  }
0x130: {  	v3 =	vperm.xlane v3, v2;
	v4 =	vadd.s32 v1, v4;
	_ =	sdelay $0x1  }
0x131: {  	v3 =	vadd.s32 v1, v3;
	_ =	sdelay $0x2  }
0x132: {  	[tilespmem:s14], [sflag:$0x1] =	stream.indirect_vreg.gather [hbm4b:s1+s3], $0x80, v4, vm0, $0xb8;
	[tilespmem:$0x8080] =	vst v63  }
0x133: {  	_ = 	snop  }
0x134: {  	[tilespmem:s15], [sflag:$0x1] =	stream.indirect_vreg.gather [hbm4b:s1+s3], $0x80, v3, vm0, $0xb8;
	[tilespmem:$0x8080] =	vst v63  }
0x135: {  	v3 =	vld [tilespmem:$0x10];
	_ =	sdelay $0x4  }
0x136: {  	v57 =	vshll.u32 v3, $0x1  }
0x137: {  	v3 =	vand.u32 $0x7, v3;
	v4 =	vand.u32 $0xFFFFFFF0, v57  }
0x138: {  	v3 =	vor.u32 v3, v4  }
0x139: {  	v4 =	vperm.xlane v3, v0;
	_ =	sdelay $0x1  }
0x13a: {  	v3 =	vperm.xlane v3, v2;
	v4 =	vadd.s32 v1, v4;
	_ =	sdelay $0x1  }
0x13b: {  	v3 =	vadd.s32 v1, v3;
	_ =	sdelay $0x2  }
0x13c: {  	[tilespmem:s16], [sflag:$0x1] =	stream.indirect_vreg.gather [hbm4b:s1+s3], $0x80, v4, vm0, $0xb8;
	[tilespmem:$0x8080] =	vst v63  }
0x13d: {  	_ = 	snop  }
0x13e: {  	[tilespmem:s17], [sflag:$0x1] =	stream.indirect_vreg.gather [hbm4b:s1+s3], $0x80, v3, vm0, $0xb8;
	[tilespmem:$0x8080] =	vst v63  }
0x13f: {  	v3 =	vld [tilespmem:$0x20];
	_ =	sdelay $0x4  }
0x140: {  	v58 =	vshll.u32 v3, $0x1  }
0x141: {  	v3 =	vand.u32 $0x7, v3;
	v4 =	vand.u32 $0xFFFFFFF0, v58  }
0x142: {  	v3 =	vor.u32 v3, v4  }
0x143: {  	v4 =	vperm.xlane v3, v0;
	_ =	sdelay $0x1  }
0x144: {  	v3 =	vperm.xlane v3, v2;
	v4 =	vadd.s32 v1, v4;
	_ =	sdelay $0x1  }
0x145: {  	v3 =	vadd.s32 v1, v3;
	_ =	sdelay $0x2  }
0x146: {  	[tilespmem:s18], [sflag:$0x1] =	stream.indirect_vreg.gather [hbm4b:s1+s3], $0x80, v4, vm0, $0xb8;
	[tilespmem:$0x8080] =	vst v63  }
0x147: {  	_ = 	snop  }
0x148: {  	[tilespmem:s19], [sflag:$0x1] =	stream.indirect_vreg.gather [hbm4b:s1+s3], $0x80, v3, vm0, $0xb8;
	[tilespmem:$0x8080] =	vst v63  }
0x149: {  	v3 =	vld [tilespmem:$0x30];
	_ =	sdelay $0x4  }
0x14a: {  	v59 =	vshll.u32 v3, $0x1  }
0x14b: {  	v3 =	vand.u32 $0x7, v3;
	v4 =	vand.u32 $0xFFFFFFF0, v59  }
0x14c: {  	v3 =	vor.u32 v3, v4  }
0x14d: {  	v4 =	vperm.xlane v3, v0;
	_ =	sdelay $0x1  }
0x14e: {  	v3 =	vperm.xlane v3, v2;
	v4 =	vadd.s32 v1, v4;
	_ =	sdelay $0x1  }
0x14f: {  	v3 =	vadd.s32 v1, v3;
	_ =	sdelay $0x2  }
0x150: {  	[tilespmem:s20], [sflag:$0x1] =	stream.indirect_vreg.gather [hbm4b:s1+s3], $0x80, v4, vm0, $0xb8;
	[tilespmem:$0x8080] =	vst v63  }
0x151: {  	_ = 	snop  }
0x152: {  	[tilespmem:s21], [sflag:$0x1] =	stream.indirect_vreg.gather [hbm4b:s1+s3], $0x80, v3, vm0, $0xb8;
	[tilespmem:$0x8080] =	vst v63  }
0x153: {  	v3 =	vld [tilespmem:$0x40];
	_ =	sdelay $0x4  }
0x154: {  	v60 =	vshll.u32 v3, $0x1  }
0x155: {  	v3 =	vand.u32 $0x7, v3;
	v4 =	vand.u32 $0xFFFFFFF0, v60  }
0x156: {  	v3 =	vor.u32 v3, v4  }
0x157: {  	v4 =	vperm.xlane v3, v0;
	_ =	sdelay $0x1  }
0x158: {  	v3 =	vperm.xlane v3, v2;
	v4 =	vadd.s32 v1, v4;
	_ =	sdelay $0x1  }
0x159: {  	v3 =	vadd.s32 v1, v3;
	_ =	sdelay $0x2  }
0x15a: {  	[tilespmem:s22], [sflag:$0x1] =	stream.indirect_vreg.gather [hbm4b:s1+s3], $0x80, v4, vm0, $0xb8;
	[tilespmem:$0x8080] =	vst v63  }
0x15b: {  	_ = 	snop  }
0x15c: {  	[tilespmem:s23], [sflag:$0x1] =	stream.indirect_vreg.gather [hbm4b:s1+s3], $0x80, v3, vm0, $0xb8;
	[tilespmem:$0x8080] =	vst v63  }
0x15d: {  	v3 =	vld [tilespmem:$0x50];
	_ =	sdelay $0x4  }
0x15e: {  	v61 =	vshll.u32 v3, $0x1  }
0x15f: {  	v3 =	vand.u32 $0x7, v3;
	v4 =	vand.u32 $0xFFFFFFF0, v61  }
0x160: {  	v3 =	vor.u32 v3, v4  }
0x161: {  	v4 =	vperm.xlane v3, v0;
	_ =	sdelay $0x1  }
0x162: {  	v3 =	vperm.xlane v3, v2;
	v4 =	vadd.s32 v1, v4;
	_ =	sdelay $0x1  }
0x163: {  	v3 =	vadd.s32 v1, v3;
	_ =	sdelay $0x2  }
0x164: {  	[tilespmem:s24], [sflag:$0x1] =	stream.indirect_vreg.gather [hbm4b:s1+s3], $0x80, v4, vm0, $0xb8;
	[tilespmem:$0x8080] =	vst v63  }
0x165: {  	_ = 	snop  }
0x166: {  	[tilespmem:s25], [sflag:$0x1] =	stream.indirect_vreg.gather [hbm4b:s1+s3], $0x80, v3, vm0, $0xb8;
	[tilespmem:$0x8080] =	vst v63  }
0x167: {  	v3 =	vld [tilespmem:$0x60];
	_ =	sdelay $0x4  }
0x168: {  	v62 =	vshll.u32 v3, $0x1  }
0x169: {  	v3 =	vand.u32 $0x7, v3;
	v4 =	vand.u32 $0xFFFFFFF0, v62  }
0x16a: {  	v3 =	vor.u32 v3, v4  }
0x16b: {  	v4 =	vperm.xlane v3, v0;
	_ =	sdelay $0x1  }
0x16c: {  	v3 =	vperm.xlane v3, v2;
	v4 =	vadd.s32 v1, v4;
	_ =	sdelay $0x1  }
0x16d: {  	v3 =	vadd.s32 v1, v3;
	_ =	sdelay $0x2  }
0x16e: {  	[tilespmem:s26], [sflag:$0x1] =	stream.indirect_vreg.gather [hbm4b:s1+s3], $0x80, v4, vm0, $0xb8;
	[tilespmem:$0x8080] =	vst v63  }
0x16f: {  	_ = 	snop  }
0x170: {  	[tilespmem:s28], [sflag:$0x1] =	stream.indirect_vreg.gather [hbm4b:s1+s3], $0x80, v3, vm0, $0xb8;
	[tilespmem:$0x8080] =	vst v63  }
0x171: {  	v3 =	vld [tilespmem:$0x70];
	_ =	sdelay $0x4  }
0x172: {  	v63 =	vshll.u32 v3, $0x1  }
0x173: {  	v3 =	vand.u32 $0x7, v3;
	v4 =	vand.u32 $0xFFFFFFF0, v63  }
0x174: {  	v3 =	vor.u32 v3, v4  }
0x175: {  	v4 =	vperm.xlane v3, v0;
	_ =	sdelay $0x1  }
0x176: {  	v3 =	vperm.xlane v3, v2;
	v4 =	vadd.s32 v1, v4;
	_ =	sdelay $0x1  }
0x177: {  	v3 =	vadd.s32 v1, v3;
	_ =	sdelay $0x2  }
0x178: {  	[tilespmem:s29], [sflag:$0x1] =	stream.indirect_vreg.gather [hbm4b:s1+s3], $0x80, v4, vm0, $0xb8;
	[tilespmem:$0x8080] =	vst v63  }
0x179: {  	_ = 	snop  }
0x17a: {  	[tilespmem:s30], [sflag:$0x1] =	stream.indirect_vreg.gather [hbm4b:s1+s3], $0x80, v3, vm0, $0xb8;
	[tilespmem:$0x8080] =	vst v63  }
0x17b: {  	_ =	swait.ge [sflag:s31], $0x8000  }
0x17c: {  	p0 =	sne.s32 s12, $0x1;
	[sflag:s31] =	ssyncset.done $0x0  }
.Ltmp0:
0x17d: {  	[sflag:s31] =	ssyncadd.s32 $0xFFFF8000;
	(pc) =	sbr.rel @p0 .LBB2_1-.Ltmp0, $4  }
0x17e: {  	[hbm4b:s11+s3] =	stream.linear.scatter [tilespmem:s14], [sflag:$0x2], $0x8000, $0x38;
	[tilespmem:$0x8080] =	vst v63  }
0x17f: {  	_ =	swait.ge [sflag:s13], $0x8000  }
0x180: {  	[sflag:s13] =	ssyncset.done $0x0  }
0x181: {  	s12 =	sadd.s32 $0xFFFFFFFF, s12;
	[sflag:s13] =	ssyncadd.s32 $0xFFFF8000  }
0x182: {  	_ =	sfence.sel $0x180000  }
0x183: {  	[bflag:$0x0] =	sbarrier.arrive $0xFFFF  }
0x184: {  	p0 =	sne.s32 s2, $0x0;
	_ =	strace $0x90000047  }
0x185: {  	s0 =	sadd.s32 @!p0 $0x100000, s0;
	[bflag:$0x2] =	sbarrier.arrive $0xFFFF  }
0x186: {  	[sflag:s0] =	ssyncadd.tile.s32 @!p0 $0x1;
	_ =	shalt  }
.Lfunc_end2:
_tile_overlayer_lowered:
.L_overlay_start_2:
0x187: {  	(tag) =	ssettag $0x2  }
0x188: {  	s0 =	rddreg [dreg:$0x0];
	s2 =	stileid.u32  }
0x189: {  	s1 =	rddreg [dreg:$0x1];
	p0 =	sne.s32 s2, $0x0  }
0x18a: {  	s3 =	rddreg [dreg:$0x2];
	[bflag:$0x3] =	sbarrier.arrive $0xFFFF;
	s2 =	simm.s32 @!p0 $0x1C02  }
0x18b: {  	[timem:s3], [sflag:s2] =	dma.local @!p0 [hbm:s0], s1  }
0x18c: {  	s0 =	simm.s32 @!p0 $0x2  }
0x18d: {  	_ =	swait.ge @!p0 [sflag:s0], s1  }
0x18e: {  	s1 =	ssub.s32 @!p0 $0x0, s1;
	[sflag:s0] =	ssyncset.done @!p0 $0x0  }
0x18f: {  	[sflag:s0] =	ssyncadd.s32 @!p0 s1  }
0x190: {  	[bflag:$0x3] =	sbarrier.arrive $0xFFFF  }
0x191: {  	_ =	shalt  }

// kernel: sparse-core-data-format-call.cloned.1.call-start
scs
called_computation_lowered:
.L_overlay_start_0:
0x0: {  	s2 =	sld [smem:$0x3FD9]  }
0x1: {  	s3 =	sld [smem:$0x3FFE];
	_ =	sdelay $0x1  }
0x2: {  	s1 =	srdreg.scid  }
0x3: {  	s0 =	sand.u32 $0x1, s1  }
0x4: {  	s18 =	sshll.u32 s0, $0xA;
	s2 =	sadd.s32 s3, s2  }
0x5: {  	s2 =	sadd.s32 s2, s18  }
0x6: {  	[smem:$0x3FC1] =	sst s2  }
0x7: {  	_ = 	snop  }
0x8: {  	s2 =	sld [smem:$0x3FD0];
	(tm) =	ssettm $0x1  }
0x9: {  	s19 =	sld [smem:$0x3FFB];
	_ =	sdelay $0x3  }
0xa: {  	_ =	strace s19  }
0xb: {  	s3 =	sld [smem:$0x3FFC];
	_ =	sdelay $0x3  }
0xc: {  	_ =	strace s3  }
0xd: {  	s3 =	sld [smem:$0x3FFD];
	_ =	sdelay $0x3  }
0xe: {  	_ =	strace s3  }
0xf: {  	_ =	strace $0x8FFFFFFF  }
0x10: {  	s20 =	sld [smem:$0x3FDB];
	_ =	sdelay $0x1  }
0x11: {  	s4 =	simm.s32 $_scs_section_size  }
0x12: {  	s5 =	simm.s32 $_size__tile_overlayer_lowered;
	s6 =	simm.s32 $_tile_overlayer_lowered  }
0x13: {  	s23 =	simm.s32 $0x1BFF;
	s22 =	sshll.u32 s6, $0x1;
	s3 =	sadd.s32 s4, s20  }
0x14: {  	s7 =	simm.s32 $0x0;
	s21 =	sshll.u32 s5, $0x1;
	s5 =	sadd.s32 s22, s3  }
0x15: {  	[timem:s7], [sflag:s23] =	dma.local [hbm:s5], s21  }
0x16: {  	_ =	swait.ge [sflag:s23], s21  }
0x17: {  	s4 =	ssub.s32 $0x0, s21;
	[sflag:s23] =	ssyncset.done $0x0  }
0x18: {  	[sflag:s23] =	ssyncadd.s32 s4;
	_ =	sdelay $0x1  }
0x19: {  	s24 =	simm.s32 $0x1B8B  }
0x1a: {  	_ =	swait.ge [sflag:s24], $0x1  }
0x1b: {  	[sflag:s24] =	ssyncset.done $0x0  }
0x1c: {  	s26 =	simm.s32 $0x1B8E;
	s25 =	sld [smem:$0x3FFE];
	[sflag:s24] =	ssyncadd.s32 $0xFFFFFFFF  }
0x1d: {  	s27 =	simm.s32 $execute0_lowered;
	[smem:$0x3FD2] =	sst s26  }
0x1e: {  	s5 =	sshll.u32 s27, $0x1;
	_ =	strace $0x80000049;
	[dreg:$0x1] =	wrdreg $0xFFFFFFFF  }
0x1f: {  	s28 =	simm.s32 $_size_execute0_lowered;
	s3 =	sadd.s32 s3, s5;
	[dreg:$0x0] =	wrdreg $0x0  }
0x20: {  	s5 =	sshll.u32 s28, $0x1;
	[dreg:$0x2] =	wrdreg s3  }
0x21: {  	[dreg:$0x3] =	wrdreg s5  }
0x22: {  	[dreg:$0x4] =	wrdreg $0xC0  }
0x23: {  	_ =	task [dreg:s7], $0x5FFFF  }
0x24: {  	[dreg:$0x1] =	wrdreg $0xFFFFFFFF  }
0x25: {  	[dreg:$0x0] =	wrdreg $0x60  }
0x26: {  	[dreg:$0x2] =	wrdreg s25  }
0x27: {  	[dreg:$0x3] =	wrdreg s2  }
0x28: {  	[dreg:$0x4] =	wrdreg $0x9  }
0x29: {  	_ =	task.clear_ibuf [dreg:s7], $0x5FFFF;
	_ =	strace $0x90000049  }
0x2a: {  	s29 =	simm.s32 $0x9;
	_ =	strace $0x8000004B  }
0x2b: {  	_ =	swait.ge [sflag:s29], $0x1  }
0x2c: {  	[sflag:s29] =	ssyncadd.s32 $0xFFFFFFFF  }
0x2d: {  	_ =	strace $0x9000004B  }
0x2e: {  	_ =	sfence  }
0x2f: {  	s30 =	sld [smem:$0x0];
	_ =	sdelay $0x2  }
0x30: {  	s31 =	sshll.u32 s1, $0xD;
	s1 =	sshrl.u32 s1, $0x2  }
0x31: {  	s3 =	sand.u32 $0x4000, s31;
	s1 =	sadd.s32 s1, s30  }
0x32: {  	s0 =	sor.u32 s3, s0;
	s1 =	sshll.u32 s1, $0x11  }
0x33: {  	s0 =	sor.u32 s1, s0  }
0x34: {  	s0 =	sadd.s32 $0x8F2B, s0  }
0x35: {  	[sflag:s0] =	ssyncadd.remote.s32 $0x1  }
0x36: {  	_ =	sfence.sel $0xFFFF  }
0x37: {  	[dreg:$0x0] =	wrdreg $0xFFFFFFFF;
	(pc) =	sbr.abs _section_cstart, $3  }
0x38: {  	[dreg:$0x1] =	wrdreg $0xFFFFFFFF  }
0x39: {  	_ =	task.clear_ibuf [dreg:s7], $0x2FFFF;
	_ =	strace $0x9FFFFFFF  }
0x3a: {  	(tm) =	ssettm $0x7FFFFFFF  }
0x3b: {  	_ =	shalt  }
tec
execute0_lowered:
.L_overlay_start_1:
0x0: {  	(tag) =	ssettag $0x1  }
0x1: {  	s4 =	rddreg [dreg:$0x0]  }
0x2: {  	s2 =	rddreg [dreg:$0x1]  }
0x3: {  	s0 =	stileid.u32;
	s1 =	rddreg [dreg:$0x2]  }
0x4: {  	s5 =	srdreg.scid;
	_ =	strace $0x8000004A;
	s31 =	simm.s32 $0x2  }
0x5: {  	s17 =	simm.s32 $0x0;
	p0 =	por $0x0, $0x0;
	s9 =	simm.s32 $0x800  }
0x6: {  	s19 =	simm.s32 $0x0;
	s18 =	simm.s32 $0x0;
	s10 =	simm.s32 $0x0  }
0x7: {  	s11 =	simm.s32 $0x0;
	s12 =	simm.s32 $0x0;
	s3 =	sshll.u32 s0, $0x7  }
0x8: {  	s13 =	simm.s32 $0x0;
	s16 =	simm.s32 $0x0;
	s3 =	sand.u32 $0x80, s3  }
0x9: {  	s5 =	sshll.u32 s5, $0x4;
	s4 =	sadd.s32 $0x1200, s4;
	s6 =	ssub.s32 $0x100, s3  }
.Ltmp0:
0xa: {  	s5 =	sand.u32 $0x10, s5;
	s7 =	sshrl.u32 s6, $0x7;
	(pc) =	sbr.rel .LBB1_1-.Ltmp0, $4  }
0xb: {  	s5 =	sor.u32 s0, s5;
	s8 =	sshrl.u32 s6, $0x8;
	s7 =	sand.u32 $0x1, s7  }
0xc: {  	s15 =	smov.u32 s3;
	s6 =	simm.s32 $0x1;
	s7 =	sadd.s32 s8, s7  }
0xd: {  	s5 =	sshrl.u32 s5, $0x1;
	[sflag:s6] =	ssyncpa.u1 $0x0;
	s7 =	sshll.u32 s7, $0x5  }
0xe: {  	s14 =	smov.u32 s5;
	[sflag:s31] =	ssyncpa.u1 $0x0;
	s8 =	sor.u32 $0x1, s7  }
.LBB1_4:
0xf: {  	s25 =	sshll.u32 s10, $0x8;
	s26 =	sshll.u32 s12, $0x3;
	s27 =	sshll.u32 s10, $0x7  }
0x10: {  	p1 =	sgt.s32 s11, $0x3F;
	s28 =	smov.u32 s11;
	s24 =	sshra.s32 s24, $0x2  }
0x11: {  	p2 =	sgt.s32 s12, $0x80;
	s25 =	sand.u32 $0xFFFFF800, s25;
	s26 =	sand.u32 $0xFFFFFC00, s26  }
0x12: {  	s29 =	sand.u32 $0x300, s27;
	s28 =	simm.s32 @!p1 $0x3F;
	s25 =	sadd.s32 s26, s25  }
0x13: {  	s23 =	sadd.s32 s24, s23;
	s25 =	sor.u32 s29, s25;
	s29 =	sshra.s32 s11, $0x1F  }
0x14: {  	s27 =	sand.u32 $0x80, s27;
	s25 =	sshrl.u32 s25, $0x8;
	s29 =	sand.u32 s29, s11  }
0x15: {  	s30 =	smulhi.u32 $0x83126F, s25;
	s26 =	ssub.s32 s28, s29;
	s29 =	smov.u32 s12  }
0x16: {  	s28 =	sadd.s32 $0xFFFFFFC1, s26;
	s29 =	simm.s32 @!p2 $0x80;
	p2 =	sgt.s32 s10, $0x368  }
0x17: {  	v5 =	vld [tilespmem:s21+$0xFFFFFFD0];
	[tilespmem:s22+$0x2040 ss:$0x81] =	vst.msk $0xffff, v4;
	s26 =	ssub.s32 $0x40, s26;
	s24 =	sshrl.u32 s30, $0x1;
	s30 =	sshra.s32 s12, $0x1F  }
0x18: {  	v58 =	vld [tilespmem:s21+$0xFFFFFFE0];
	[tilespmem:s22+$0x2850 ss:$0x81] =	vst.msk $0xffff, v3;
	p1 =	sgt.s32 s28, $0x0;
	s31 =	sand.u32 s30, s12;
	s30 =	smov.u32 s10  }
0x19: {  	v59 =	vld [tilespmem:s21+$0xFFFFFFF0];
	[tilespmem:s22+$0x3060 ss:$0x81] =	vst.msk $0xffff, v2;
	s24 =	smul.u32 $0x3E8, s24;
	s28 =	ssub.s32 s29, s31;
	s31 =	sshra.s32 s10, $0x1F  }
0x1a: {  	[tilespmem:s22+$0x0 ss:$0x81] =	vst.msk $0xffff, v1;
	v60 =	vld [tilespmem:s21+$0x0];
	s26 =	simm.s32 @p1 $0x0;
	s30 =	simm.s32 @!p2 $0x368;
	s29 =	sand.u32 s31, s10  }
0x1b: {  	v61 =	vld [tilespmem:s21+$0x10];
	[tilespmem:s23+$0x3870 ss:$0x81] =	vst.msk $0xffff, v0;
	s24 =	ssub.s32 s25, s24;
	s22 =	ssub.s32 s30, s29;
	s30 =	sadd.s32 $0xFFFFFF80, s28  }
0x1c: {  	v62 =	vld [tilespmem:s21+$0x20];
	[tilespmem:s23+$0x810 ss:$0x81] =	vst.msk $0xffff, v5;
	s28 =	ssub.s32 $0x100, s28;
	p1 =	sgt.s32 s30, $0x7F;
	s31 =	sadd.s32 $0xFFFFFC98, s22  }
0x1d: {  	v63 =	vld [tilespmem:s21+$0xFFFFFFC0];
	[tilespmem:s23+$0x1020 ss:$0x81] =	vst.msk $0xffff, v58;
	p2 =	sgt.s32 s31, $0x7F;
	s28 =	simm.s32 @p1 $0x0;
	s31 =	smul.u32 $0x7D00, s11  }
0x1e: {  	[tilespmem:s23+$0x1830 ss:$0x81] =	vst.msk $0xffff, v59;
	s30 =	sand.u32 $0x78, s12;
	s22 =	ssub.s32 $0x3E8, s22;
	s26 =	smul.u32 s28, s26  }
0x1f: {  	[tilespmem:s23+$0x2040 ss:$0x81] =	vst.msk $0xffff, v60;
	s29 =	sand.u32 $0x7, s12;
	s21 =	sor.u32 s30, s27;
	s22 =	simm.s32 @p2 $0x0  }
0x20: {  	[tilespmem:s23+$0x2850 ss:$0x81] =	vst.msk $0xffff, v61;
	s21 =	sshrl.u32 s21, $0x3;
	s28 =	sadd.s32 s2, s31;
	s22 =	smul.u32 s22, s26  }
0x21: {  	[tilespmem:s23+$0x3060 ss:$0x81] =	vst.msk $0xffff, v62;
	s24 =	sshll.u32 s24, $0x5;
	s30 =	sshll.u32 s29, $0x12;
	s21 =	sadd.s32 s21, s28  }
0x22: {  	[tilespmem:s23+$0x0 ss:$0x81] =	vst.msk $0xffff, v63;
	s31 =	sor.u32 $0x400, s30;
	s21 =	sadd.s32 s24, s21;
	s22 =	sand.u32 $0x3FFFFFFF, s22  }
0x23: {  	[hbm4b:s21+s31] =	stream.strided.scatter [tilespmem:s20], [sflag:$0x2], s22, s9, s31, $0x20;
	[tilespmem:$0x10100] =	vst v63  }
.LBB1_5:
0x24: {  	p1 =	slt.u32 s16, $0x2  }
0x25: {  	p2 =	sgt.s32 @!p1 s19, $0x3F  }
0x26: {  	s20 =	smov.u32 s19;
	s21 =	sshra.s32 @!p1 s19, $0x1F;
	p2 =	por !p2, p1  }
0x27: {  	s19 =	sand.u32 @!p1 s21, s19;
	s20 =	simm.s32 @p2 $0x3F  }
0x28: {  	p3 =	sgt.s32 @!p1 s18, $0x80;
	s19 =	ssub.s32 @!p1 s20, s19  }
0x29: {  	p3 =	por !p3, p1;
	s21 =	sshra.s32 @!p1 s18, $0x1F;
	s20 =	sadd.s32 @!p1 $0xFFFFFFC1, s19  }
0x2a: {  	s19 =	ssub.s32 @!p1 $0x40, s19;
	p2 =	sgt.s32 @!p1 s20, $0x0;
	s20 =	smov.u32 s18  }
0x2b: {  	s18 =	sand.u32 @!p1 s21, s18;
	s20 =	simm.s32 @p3 $0x80;
	p3 =	sgt.s32 @!p1 s17, $0x368  }
0x2c: {  	s21 =	smov.u32 s17;
	p2 =	por !p2, p1;
	p3 =	por !p3, p1  }
0x2d: {  	s18 =	ssub.s32 @!p1 s20, s18;
	s20 =	sshra.s32 @!p1 s17, $0x1F;
	s19 =	simm.s32 @!p2 $0x0  }
0x2e: {  	s21 =	simm.s32 @p3 $0x368;
	s17 =	sand.u32 @!p1 s20, s17;
	s20 =	sadd.s32 @!p1 $0xFFFFFF80, s18  }
0x2f: {  	s18 =	ssub.s32 @!p1 $0x100, s18;
	s17 =	ssub.s32 @!p1 s21, s17;
	p2 =	sgt.s32 @!p1 s20, $0x7F  }
0x30: {  	s21 =	smov.u32 s14;
	s20 =	sadd.s32 @!p1 $0xFFFFFC98, s17;
	p2 =	por !p2, p1  }
0x31: {  	s17 =	ssub.s32 @!p1 $0x3E8, s17;
	p3 =	sgt.s32 @!p1 s20, $0x7F;
	s18 =	simm.s32 @!p2 $0x0  }
0x32: {  	s20 =	sadd.s32 $0x80, s13;
	p2 =	por !p3, p1;
	s18 =	smul.u32 @!p1 s18, s19  }
0x33: {  	s19 =	sadd.s32 $0x10, s14;
	s17 =	simm.s32 @!p2 $0x0;
	p2 =	sgt.s32 s20, $0x3E7  }
0x34: {  	s22 =	smov.u32 s15;
	s21 =	smov.u32 @p2 s19  }
0x35: {  	s17 =	smul.u32 @!p1 s17, s18;
	s18 =	sadd.s32 $0x100, s15;
	p3 =	sgt.s32 s21, $0x3F  }
0x36: {  	p0 =	por !p0, !p0;
	s23 =	simm.s32 @!p1 $0x2;
	s22 =	smov.u32 @p3 s18  }
0x37: {  	s20 =	simm.s32 @p2 $0x0;
	s19 =	smov.u32 s11;
	p2 =	sgt.s32 s22, $0xFF  }
0x38: {  	s11 =	smov.u32 s14;
	s22 =	smov.u32 @p2 s3;
	p2 =	sne.s32 s16, s8  }
.Ltmp1:
0x39: {  	s17 =	sand.u32 @!p1 $0x3FFFFFFF, s17;
	s21 =	smov.u32 @p3 s5;
	(pc) =	sbr.rel @!p2 .LBB1_6-.Ltmp1, $4  }
0x3a: {  	s18 =	smov.u32 s12;
	s12 =	smov.u32 s15;
	_ =	swait.ge @!p1 [sflag:s23], s17  }
0x3b: {  	s24 =	ssub.s32 @!p1 $0x0, s17;
	s17 =	smov.u32 s10;
	s10 =	smov.u32 s13  }
0x3c: {  	s13 =	smov.u32 s20;
	s14 =	smov.u32 s21;
	[sflag:s23] =	ssyncset.done @!p1 $0x0  }
0x3d: {  	s16 =	sadd.s32 $0x1, s16;
	[sflag:s23] =	ssyncadd.s32 @!p1 s24;
	s15 =	smov.u32 s22  }
.LBB1_1:
0x3e: {  	p1 =	sge.u32 s16, s7  }
0x3f: {  	s31 =	sadd.s32 $0xFFFFFFFF, s16;
	s20 =	sshll.u32 @!p1 s14, $0x7  }
0x40: {  	s21 =	sxor.u32 @!p1 $0xFFFFFFFF, s16;
	s22 =	sand.u32 @!p1 $0x78, s13;
	s23 =	sand.u32 @!p1 $0x380, s20  }
0x41: {  	s21 =	sshll.u32 @!p1 s21, $0xE;
	s22 =	sor.u32 @!p1 s22, s23;
	s23 =	sshll.u32 @!p1 s15, $0xD  }
0x42: {  	s20 =	sand.u32 @!p1 $0x1C00, s20;
	s22 =	sshrl.u32 @!p1 s22, $0x3;
	s23 =	sadd.s32 @!p1 s4, s23  }
0x43: {  	s20 =	sadd.s32 @!p1 s13, s20;
	s22 =	sadd.s32 @!p1 s22, s23;
	s23 =	sand.u32 @!p1 $0x7, s13  }
0x44: {  	s21 =	sand.u32 @!p1 $0x4000, s21;
	s20 =	sand.u32 @!p1 $0x1F80, s20;
	s23 =	sshll.u32 @!p1 s23, $0x12  }
0x45: {  	s20 =	sadd.s32 @!p1 s20, s22;
	s22 =	sor.u32 @!p1 $0x80, s23;
	s23 =	simm.s32 @!p1 $0x10000  }
0x46: {  	[tilespmem:s21], [sflag:$0x1] =	stream.strided.gather @!p1 [hbm4b:s20+s22], $0x4000, s23, s22, $0x38;
	[tilespmem:$0x10100] =	vst v63  }
0x47: {  	p1 =	sge.u32 s31, s7  }
.Ltmp2:
0x48: {  	_ = 	snop;
	(pc) =	sbr.rel @p1 .LBB1_5-.Ltmp2, $1  }
0x49: {  	_ =	sdelay $0x3  }
0x4a: {  	s20 =	simm.s32 $0x1  }
0x4b: {  	_ =	swait.ge [sflag:s6], $0x4000;
	s20 =	simm.s32 @!p0 $0x0  }
0x4c: {  	[sflag:s6] =	ssyncset.done $0x0;
	s21 =	sshll.u32 s20, $0xE  }
0x4d: {  	[sflag:s6] =	ssyncadd.s32 $0xFFFFC000;
	s21 =	sor.u32 $0x40, s21  }
0x4e: {  	s20 =	smul.u32 $0x10200, s20;
	v0 =	vld [tilespmem:s21+$0x30]  }
0x4f: {  	v1 =	vld [tilespmem:s21+$0xFFFFFFD0]  }
0x50: {  	s20 =	sshrl.u32 s20, $0x2;
	v5 =	vld [tilespmem:s21+$0xFFFFFFE0]  }
0x51: {  	v6 =	vld [tilespmem:s21+$0xFFFFFFF0];
	s23 =	sor.u32 $0x8000, s20  }
0x52: {  	s31 =	sand.u32 $0x1, s16;
	v4 =	vld [tilespmem:s21+$0x0];
	s22 =	sadd.s32 $0x0, s23  }
0x53: {  	v3 =	vld [tilespmem:s21+$0x10];
	s20 =	smul.u32 $0x10200, s31;
	[tilespmem:s22+$0x3870 ss:$0x81] =	vst.msk $0xffff, v0  }
0x54: {  	v2 =	vld [tilespmem:s21+$0x20];
	[tilespmem:s22+$0x810 ss:$0x81] =	vst.msk $0xffff, v1  }
0x55: {  	s20 =	sshrl.u32 s20, $0x2;
	v1 =	vld [tilespmem:s21+$0xFFFFFFC0];
	[tilespmem:s22+$0x1020 ss:$0x81] =	vst.msk $0xffff, v5;
	s21 =	sadd.s32 $0x80, s21  }
0x56: {  	s24 =	simm.s32 $0x4;
	s25 =	simm.s32 $0x8;
	s20 =	sor.u32 $0x8000, s20;
	[tilespmem:s22+$0x1830 ss:$0x81] =	vst.msk $0xffff, v6;
	v0 =	vld [tilespmem:s21+$0x30]  }
.LBB1_3:
0x57: {  	p1 =	sne.s32 s25, $0x1FC;
	v5 =	vld [tilespmem:s21+$0xFFFFFFD0];
	[tilespmem:s22+$0x2040 ss:$0x81] =	vst.msk $0xffff, v4  }
0x58: {  	v6 =	vld [tilespmem:s21+$0xFFFFFFE0];
	[tilespmem:s22+$0x2850 ss:$0x81] =	vst.msk $0xffff, v3  }
0x59: {  	s26 =	sshra.s32 s24, $0x2;
	s24 =	smov.u32 s25;
	v7 =	vld [tilespmem:s21+$0xFFFFFFF0];
	[tilespmem:s22+$0x3060 ss:$0x81] =	vst.msk $0xffff, v2  }
.Ltmp3:
0x5a: {  	v4 =	vld [tilespmem:s21+$0x0];
	[tilespmem:s22+$0x0 ss:$0x81] =	vst.msk $0xffff, v1;
	s22 =	sadd.s32 s26, s23;
	(pc) =	sbr.rel @p1 .LBB1_3-.Ltmp3, $4  }
0x5b: {  	v3 =	vld [tilespmem:s21+$0x10];
	[tilespmem:s22+$0x3870 ss:$0x81] =	vst.msk $0xffff, v0  }
0x5c: {  	[tilespmem:s22+$0x810 ss:$0x81] =	vst.msk $0xffff, v5;
	v2 =	vld [tilespmem:s21+$0x20]  }
0x5d: {  	v1 =	vld [tilespmem:s21+$0xFFFFFFC0];
	[tilespmem:s22+$0x1020 ss:$0x81] =	vst.msk $0xffff, v6;
	s21 =	sadd.s32 $0x80, s21  }
0x5e: {  	s25 =	sadd.s32 $0x4, s25;
	v0 =	vld [tilespmem:s21+$0x30];
	[tilespmem:s22+$0x1830 ss:$0x81] =	vst.msk $0xffff, v7  }
.Ltmp4:
0x5f: {  	_ = 	snop;
	(pc) =	sbr.rel .LBB1_4-.Ltmp4, $1  }
0x60: {  	_ =	sdelay $0x3  }
.LBB1_6:
0x61: {  	_ =	sfence.sel $0x180000  }
0x62: {  	s2 =	simm.s32 $0x1;
	[bflag:$0x0] =	sbarrier.arrive $0xFFFF  }
0x63: {  	s31 =	simm.s32 $0x2;
	[sflag:s2] =	ssyncpa.u1 $0x1  }
0x64: {  	[sflag:s31] =	ssyncpa.u1 $0x1  }
0x65: {  	p0 =	sne.s32 s0, $0x0;
	_ =	strace $0x9000004A  }
0x66: {  	s0 =	sadd.s32 @!p0 $0x100000, s1;
	[bflag:$0x2] =	sbarrier.arrive $0xFFFF  }
0x67: {  	[sflag:s0] =	ssyncadd.tile.s32 @!p0 $0x1;
	_ =	shalt  }
.Lfunc_end1:
_tile_overlayer_lowered:
.L_overlay_start_2:
0x68: {  	(tag) =	ssettag $0x2  }
0x69: {  	s0 =	rddreg [dreg:$0x0];
	s2 =	stileid.u32  }
0x6a: {  	s1 =	rddreg [dreg:$0x1];
	p0 =	sne.s32 s2, $0x0  }
0x6b: {  	s3 =	rddreg [dreg:$0x2];
	[bflag:$0x3] =	sbarrier.arrive $0xFFFF;
	s2 =	simm.s32 @!p0 $0x1C01  }
0x6c: {  	[timem:s3], [sflag:s2] =	dma.local @!p0 [hbm:s0], s1  }
0x6d: {  	s0 =	simm.s32 @!p0 $0x1  }
0x6e: {  	_ =	swait.ge @!p0 [sflag:s0], s1  }
0x6f: {  	s1 =	ssub.s32 @!p0 $0x0, s1;
	[sflag:s0] =	ssyncset.done @!p0 $0x0  }
0x70: {  	[sflag:s0] =	ssyncadd.s32 @!p0 s1  }
0x71: {  	[bflag:$0x3] =	sbarrier.arrive $0xFFFF  }
0x72: {  	_ =	shalt  }

</sc_bundles>
